<compile_context>
chip_gen: v7x
topology: tpu7x:2x2x1
jax: 0.10.2.dev20260603
libtpu: 0.0.44.dev20260713+nightly
codegen_flags: <defaults>
</compile_context>

<pallas_src>
import functools

import jax
import jax.numpy as jnp
from jax import lax
from jax.experimental import pallas as pl
from jax.experimental.pallas import tpu as pltpu
from jax.experimental.pallas import tpu_sc as plsc

DIM = 64
PITCH = 128
NUM_CORES = 2
NUM_SUBCORES = 16
NUM_WORKERS = NUM_CORES * NUM_SUBCORES
NBUF = 4
PAIR = 1


def kernel(x, table):
    batch, seq = x.shape
    rows_per_w = batch // NUM_WORKERS
    n_slots = rows_per_w // PAIR
    n_groups = n_slots // NBUF
    assert n_groups * NBUF * PAIR == rows_per_w
    n_flat = batch * seq
    mesh = plsc.VectorSubcoreMesh(core_axis_name="c", subcore_axis_name="s")

    @functools.partial(
        pl.kernel,
        mesh=mesh,
        out_type=jax.ShapeDtypeStruct((n_flat, PITCH), jnp.float32),
        scratch_types=[
            pltpu.VMEM((rows_per_w, seq), jnp.int32),
            pltpu.VMEM((NBUF, PAIR * seq, DIM), jnp.float32),
            pltpu.SemaphoreType.DMA((NBUF,)),
            pltpu.SemaphoreType.DMA((NBUF,)),
        ],
        compiler_params=pltpu.CompilerParams(use_tc_tiling_on_sc=False),
    )
    def k(x_hbm, table_hbm, out_hbm, idx_v, rows_v, gsem, ssem):
        wid = lax.axis_index("s") * NUM_CORES + lax.axis_index("c")
        row0 = wid * rows_per_w
        flat0 = row0 * seq
        pltpu.sync_copy(x_hbm.at[pl.ds(row0, rows_per_w)], idx_v)

        def gather_copies(i, b):
            p = i * NBUF + b
            return [
                pltpu.make_async_copy(
                    table_hbm.at[idx_v.at[PAIR * p + j]],
                    rows_v.at[b, pl.ds(j * seq, seq)],
                    gsem.at[b],
                )
                for j in range(PAIR)
            ]

        def store_copy(i, b):
            p = i * NBUF + b
            return pltpu.make_async_copy(
                rows_v.at[b],
                out_hbm.at[
                    pl.ds(flat0 + p * PAIR * seq, PAIR * seq), pl.ds(0, DIM)
                ],
                ssem.at[b],
            )

        def start_gathers(i, b):
            for c in gather_copies(i, b):
                c.start()

        def wait_gathers(i, b):
            for c in gather_copies(i, b):
                c.wait()

        for b in range(NBUF):
            start_gathers(0, b)

        def body(i, carry):
            for b in range(NBUF):
                wait_gathers(i, b)
                store_copy(i, b).start()
            for b in range(NBUF):
                store_copy(i, b).wait()
                start_gathers(i + 1, b)
            return carry

        lax.fori_loop(0, n_groups - 1, body, 0)

        last = n_groups - 1
        for b in range(NBUF):
            wait_gathers(last, b)
            store_copy(last, b).start()
        for b in range(NBUF):
            store_copy(last, b).wait()

    padded = k(x, table)
    return padded[:, :DIM].reshape(batch, seq, DIM)

# --- scband reference (transcript-rebuilt; emitter-appended) ---
"""Pipeline reference for scband-glove-embedding-23081154249453 (READ-ONLY COPY).

The authoritative reference and input builder live on the scoring server;
editing this copy changes nothing except your own understanding.
"""

import jax, jax.numpy as jnp
import numpy as np

VOCAB = 1000000
DIM = 64
B = 4096
L = 200


def setup_inputs(seed: int = 0) -> dict:
    key = jax.random.key(seed)
    k1, k2 = jax.random.split(key)
    # Pretrained GloVe-style embedding table (padding_idx=0 row left as-is;
    # nn.Embedding.from_pretrained does NOT zero the padding row, it only
    # zeroes its gradient).
    table = jax.random.normal(k1, (VOCAB, DIM), dtype=jnp.float32)
    x = jax.random.randint(k2, (B, L), 0, VOCAB, dtype=jnp.int32)
    return {"x": x, "table": table}


def reference(x, table):
    # nn.Embedding forward == row gather from the table
    return jnp.take(table, x, axis=0)

if __name__ == "__main__":
    import jax
    _d = setup_inputs()
    print(jax.jit(kernel)(*tuple(_d.values())))

</pallas_src>

<mosaic_0001>
#map = affine_map<(d0, d1) -> (0, 0)>
module attributes {stable_mosaic.version = 14 : i64} {
  func.func @k(%arg0: i32, %arg1: i32, %arg2: memref<4096x200xi32, #tpu.memory_space<hbm>>, %arg3: memref<1000000x64xf32, #tpu.memory_space<hbm>>, %arg4: memref<819200x128xf32, #tpu.memory_space<hbm>>, %arg5: memref<128x200xi32, #tpu.memory_space<vmem>>, %arg6: memref<4x200x64xf32, #tpu.memory_space<vmem>>, %arg7: memref<4x!tpu.dma_semaphore, #tpu.memory_space<semaphore_mem>>, %arg8: memref<4x!tpu.dma_semaphore, #tpu.memory_space<semaphore_mem>>) attributes {dimension_semantics = [#tpu.dimension_semantics<core_parallel>, #tpu.dimension_semantics<subcore_parallel>], iteration_bounds = array<i64: 2, 16>, scalar_prefetch = 0 : i64, scratch_operands = 4 : i64, tpu.core_type = #tpu.core_type<sc_vector_subcore>, window_params = [{transform_indices = #map}, {transform_indices = #map}, {transform_indices = #map}]} {
    %mul3A = arith.constant 2 : i32
    %mul3A_0 = arith.muli %arg1, %mul3A : i32
    %add3A = arith.addi %mul3A_0, %arg0 : i32
    %mul3A_1 = arith.constant 128 : i32
    %mul3A_2 = arith.muli %add3A, %mul3A_1 : i32
    %mul3A_3 = arith.constant 200 : i32
    %mul3A_4 = arith.muli %mul3A_2, %mul3A_3 : i32
    "tpu.region"() ({
      %run_scoped3A = tpu.sem_alloc : memref<!tpu.dma_semaphore, #tpu.memory_space<semaphore_mem>>
      %dma_start3A_272 = arith.constant 0 : i32
      %dma_start3A_273 = tpu.memref_slice %arg2[%mul3A_2, %dma_start3A_272] : memref<4096x200xi32, #tpu.memory_space<hbm>> -> memref<128x200xi32, #tpu.memory_space<hbm>>
      %dma_start3A_274 = arith.constant 0 : i32
      %dma_start3A_275 = tpu.memref_slice %arg2[%mul3A_2, %dma_start3A_274] : memref<4096x200xi32, #tpu.memory_space<hbm>> -> memref<128x200xi32, #tpu.memory_space<hbm>>
      tpu.enqueue_dma source(%dma_start3A_275 : memref<128x200xi32, #tpu.memory_space<hbm>>) target(%arg5 : memref<128x200xi32, #tpu.memory_space<vmem>>) target_semaphore(%run_scoped3A : memref<!tpu.dma_semaphore, #tpu.memory_space<semaphore_mem>>)
      %dma_wait3A_276 = arith.constant 0 : i32
      %dma_wait3A_277 = tpu.memref_slice %arg2[%mul3A_2, %dma_wait3A_276] : memref<4096x200xi32, #tpu.memory_space<hbm>> -> memref<128x200xi32, #tpu.memory_space<hbm>>
      %dma_wait3A_278 = arith.constant 0 : i32
      %dma_wait3A_279 = tpu.memref_slice %arg2[%mul3A_2, %dma_wait3A_278] : memref<4096x200xi32, #tpu.memory_space<hbm>> -> memref<128x200xi32, #tpu.memory_space<hbm>>
      tpu.wait_dma2 semaphore(%run_scoped3A : memref<!tpu.dma_semaphore, #tpu.memory_space<semaphore_mem>>) src(%dma_wait3A_279 : memref<128x200xi32, #tpu.memory_space<hbm>>) dst(%arg5 : memref<128x200xi32, #tpu.memory_space<vmem>>)
      tpu.yield
    }) : () -> ()
    %dma_start3A = arith.constant 0 : i32
    %dma_start3A_5 = arith.constant 0 : i32
    %dma_start3A_6 = arith.constant 0 : i32
    %dma_start3A_7 = arith.constant 0 : i32
    %dma_start3A_8 = arith.constant 0 : i32
    %dma_start3A_9 = tpu.memref_slice %arg6[%dma_start3A_5, %dma_start3A_7, %dma_start3A_8] : memref<4x200x64xf32, #tpu.memory_space<vmem>> -> memref<1x200x64xf32, #tpu.memory_space<vmem>>
    %dma_start3A_10 = tpu.memref_squeeze %dma_start3A_9 : memref<1x200x64xf32, #tpu.memory_space<vmem>> -> memref<200x64xf32, #tpu.memory_space<vmem>>
    %dma_start3A_11 = arith.constant 0 : i32
    %dma_start3A_12 = tpu.memref_slice %arg5[%dma_start3A, %dma_start3A_11] : memref<128x200xi32, #tpu.memory_space<vmem>> -> memref<1x200xi32, #tpu.memory_space<vmem>>
    %dma_start3A_13 = tpu.memref_squeeze %dma_start3A_12 : memref<1x200xi32, #tpu.memory_space<vmem>> -> memref<200xi32, #tpu.memory_space<vmem>>
    %dma_start3A_14 = arith.constant 0 : i32
    %dma_start3A_15 = arith.constant 0 : i32
    %dma_start3A_16 = tpu.memref_slice %arg3[%dma_start3A_14, %dma_start3A_15] : memref<1000000x64xf32, #tpu.memory_space<hbm>> -> memref<1000000x64xf32, #tpu.memory_space<hbm>>
    %dma_start3A_17 = tpu.memref_slice %arg7[%dma_start3A_6] : memref<4x!tpu.dma_semaphore, #tpu.memory_space<semaphore_mem>> -> memref<1x!tpu.dma_semaphore, #tpu.memory_space<semaphore_mem>>
    %dma_start3A_18 = tpu.memref_squeeze %dma_start3A_17 : memref<1x!tpu.dma_semaphore, #tpu.memory_space<semaphore_mem>> -> memref<!tpu.dma_semaphore, #tpu.memory_space<semaphore_mem>>
    tpu.enqueue_indirect_dma source(%dma_start3A_16 : memref<1000000x64xf32, #tpu.memory_space<hbm>>) target(%dma_start3A_10 : memref<200x64xf32, #tpu.memory_space<vmem>>) offsets(%dma_start3A_13 : memref<200xi32, #tpu.memory_space<vmem>>) semaphore(%dma_start3A_18 : memref<!tpu.dma_semaphore, #tpu.memory_space<semaphore_mem>>)
    %dma_start3A_19 = arith.constant 1 : i32
    %dma_start3A_20 = arith.constant 1 : i32
    %dma_start3A_21 = arith.constant 1 : i32
    %dma_start3A_22 = arith.constant 0 : i32
    %dma_start3A_23 = arith.constant 0 : i32
    %dma_start3A_24 = tpu.memref_slice %arg6[%dma_start3A_20, %dma_start3A_22, %dma_start3A_23] : memref<4x200x64xf32, #tpu.memory_space<vmem>> -> memref<1x200x64xf32, #tpu.memory_space<vmem>>
    %dma_start3A_25 = tpu.memref_squeeze %dma_start3A_24 : memref<1x200x64xf32, #tpu.memory_space<vmem>> -> memref<200x64xf32, #tpu.memory_space<vmem>>
    %dma_start3A_26 = arith.constant 0 : i32
    %dma_start3A_27 = tpu.memref_slice %arg5[%dma_start3A_19, %dma_start3A_26] : memref<128x200xi32, #tpu.memory_space<vmem>> -> memref<1x200xi32, #tpu.memory_space<vmem>>
    %dma_start3A_28 = tpu.memref_squeeze %dma_start3A_27 : memref<1x200xi32, #tpu.memory_space<vmem>> -> memref<200xi32, #tpu.memory_space<vmem>>
    %dma_start3A_29 = arith.constant 0 : i32
    %dma_start3A_30 = arith.constant 0 : i32
    %dma_start3A_31 = tpu.memref_slice %arg3[%dma_start3A_29, %dma_start3A_30] : memref<1000000x64xf32, #tpu.memory_space<hbm>> -> memref<1000000x64xf32, #tpu.memory_space<hbm>>
    %dma_start3A_32 = tpu.memref_slice %arg7[%dma_start3A_21] : memref<4x!tpu.dma_semaphore, #tpu.memory_space<semaphore_mem>> -> memref<1x!tpu.dma_semaphore, #tpu.memory_space<semaphore_mem>>
    %dma_start3A_33 = tpu.memref_squeeze %dma_start3A_32 : memref<1x!tpu.dma_semaphore, #tpu.memory_space<semaphore_mem>> -> memref<!tpu.dma_semaphore, #tpu.memory_space<semaphore_mem>>
    tpu.enqueue_indirect_dma source(%dma_start3A_31 : memref<1000000x64xf32, #tpu.memory_space<hbm>>) target(%dma_start3A_25 : memref<200x64xf32, #tpu.memory_space<vmem>>) offsets(%dma_start3A_28 : memref<200xi32, #tpu.memory_space<vmem>>) semaphore(%dma_start3A_33 : memref<!tpu.dma_semaphore, #tpu.memory_space<semaphore_mem>>)
    %dma_start3A_34 = arith.constant 2 : i32
    %dma_start3A_35 = arith.constant 2 : i32
    %dma_start3A_36 = arith.constant 2 : i32
    %dma_start3A_37 = arith.constant 0 : i32
    %dma_start3A_38 = arith.constant 0 : i32
    %dma_start3A_39 = tpu.memref_slice %arg6[%dma_start3A_35, %dma_start3A_37, %dma_start3A_38] : memref<4x200x64xf32, #tpu.memory_space<vmem>> -> memref<1x200x64xf32, #tpu.memory_space<vmem>>
    %dma_start3A_40 = tpu.memref_squeeze %dma_start3A_39 : memref<1x200x64xf32, #tpu.memory_space<vmem>> -> memref<200x64xf32, #tpu.memory_space<vmem>>
    %dma_start3A_41 = arith.constant 0 : i32
    %dma_start3A_42 = tpu.memref_slice %arg5[%dma_start3A_34, %dma_start3A_41] : memref<128x200xi32, #tpu.memory_space<vmem>> -> memref<1x200xi32, #tpu.memory_space<vmem>>
    %dma_start3A_43 = tpu.memref_squeeze %dma_start3A_42 : memref<1x200xi32, #tpu.memory_space<vmem>> -> memref<200xi32, #tpu.memory_space<vmem>>
    %dma_start3A_44 = arith.constant 0 : i32
    %dma_start3A_45 = arith.constant 0 : i32
    %dma_start3A_46 = tpu.memref_slice %arg3[%dma_start3A_44, %dma_start3A_45] : memref<1000000x64xf32, #tpu.memory_space<hbm>> -> memref<1000000x64xf32, #tpu.memory_space<hbm>>
    %dma_start3A_47 = tpu.memref_slice %arg7[%dma_start3A_36] : memref<4x!tpu.dma_semaphore, #tpu.memory_space<semaphore_mem>> -> memref<1x!tpu.dma_semaphore, #tpu.memory_space<semaphore_mem>>
    %dma_start3A_48 = tpu.memref_squeeze %dma_start3A_47 : memref<1x!tpu.dma_semaphore, #tpu.memory_space<semaphore_mem>> -> memref<!tpu.dma_semaphore, #tpu.memory_space<semaphore_mem>>
    tpu.enqueue_indirect_dma source(%dma_start3A_46 : memref<1000000x64xf32, #tpu.memory_space<hbm>>) target(%dma_start3A_40 : memref<200x64xf32, #tpu.memory_space<vmem>>) offsets(%dma_start3A_43 : memref<200xi32, #tpu.memory_space<vmem>>) semaphore(%dma_start3A_48 : memref<!tpu.dma_semaphore, #tpu.memory_space<semaphore_mem>>)
    %dma_start3A_49 = arith.constant 3 : i32
    %dma_start3A_50 = arith.constant 3 : i32
    %dma_start3A_51 = arith.constant 3 : i32
    %dma_start3A_52 = arith.constant 0 : i32
    %dma_start3A_53 = arith.constant 0 : i32
    %dma_start3A_54 = tpu.memref_slice %arg6[%dma_start3A_50, %dma_start3A_52, %dma_start3A_53] : memref<4x200x64xf32, #tpu.memory_space<vmem>> -> memref<1x200x64xf32, #tpu.memory_space<vmem>>
    %dma_start3A_55 = tpu.memref_squeeze %dma_start3A_54 : memref<1x200x64xf32, #tpu.memory_space<vmem>> -> memref<200x64xf32, #tpu.memory_space<vmem>>
    %dma_start3A_56 = arith.constant 0 : i32
    %dma_start3A_57 = tpu.memref_slice %arg5[%dma_start3A_49, %dma_start3A_56] : memref<128x200xi32, #tpu.memory_space<vmem>> -> memref<1x200xi32, #tpu.memory_space<vmem>>
    %dma_start3A_58 = tpu.memref_squeeze %dma_start3A_57 : memref<1x200xi32, #tpu.memory_space<vmem>> -> memref<200xi32, #tpu.memory_space<vmem>>
    %dma_start3A_59 = arith.constant 0 : i32
    %dma_start3A_60 = arith.constant 0 : i32
    %dma_start3A_61 = tpu.memref_slice %arg3[%dma_start3A_59, %dma_start3A_60] : memref<1000000x64xf32, #tpu.memory_space<hbm>> -> memref<1000000x64xf32, #tpu.memory_space<hbm>>
    %dma_start3A_62 = tpu.memref_slice %arg7[%dma_start3A_51] : memref<4x!tpu.dma_semaphore, #tpu.memory_space<semaphore_mem>> -> memref<1x!tpu.dma_semaphore, #tpu.memory_space<semaphore_mem>>
    %dma_start3A_63 = tpu.memref_squeeze %dma_start3A_62 : memref<1x!tpu.dma_semaphore, #tpu.memory_space<semaphore_mem>> -> memref<!tpu.dma_semaphore, #tpu.memory_space<semaphore_mem>>
    tpu.enqueue_indirect_dma source(%dma_start3A_61 : memref<1000000x64xf32, #tpu.memory_space<hbm>>) target(%dma_start3A_55 : memref<200x64xf32, #tpu.memory_space<vmem>>) offsets(%dma_start3A_58 : memref<200xi32, #tpu.memory_space<vmem>>) semaphore(%dma_start3A_63 : memref<!tpu.dma_semaphore, #tpu.memory_space<semaphore_mem>>)
    %scan3A = arith.constant 0 : i32
    %scan3A_64 = arith.constant 0 : i32
    %scan3A_65 = arith.constant 31 : i32
    %scan3A_66 = arith.addi %scan3A_64, %scan3A_65 : i32
    %scan3A_67 = arith.constant 1 : i32
    scf.for %scan3A_272 = %scan3A_64 to %scan3A_66 step %scan3A_67  : i32 {
      %mul3A_273 = arith.constant 4 : i32
      %mul3A_274 = arith.muli %scan3A_272, %mul3A_273 : i32
      %add3A_275 = arith.constant 0 : i32
      %add3A_276 = arith.addi %mul3A_274, %add3A_275 : i32
      %mul3A_277 = arith.constant 1 : i32
      %mul3A_278 = arith.muli %mul3A_277, %add3A_276 : i32
      %add3A_279 = arith.constant 0 : i32
      %add3A_280 = arith.addi %mul3A_278, %add3A_279 : i32
      %dma_wait3A_281 = arith.constant 0 : i32
      %dma_wait3A_282 = arith.constant 0 : i32
      %dma_wait3A_283 = arith.constant 0 : i32
      %dma_wait3A_284 = arith.constant 0 : i32
      %dma_wait3A_285 = tpu.memref_slice %arg6[%dma_wait3A_281, %dma_wait3A_283, %dma_wait3A_284] : memref<4x200x64xf32, #tpu.memory_space<vmem>> -> memref<1x200x64xf32, #tpu.memory_space<vmem>>
      %dma_wait3A_286 = tpu.memref_squeeze %dma_wait3A_285 : memref<1x200x64xf32, #tpu.memory_space<vmem>> -> memref<200x64xf32, #tpu.memory_space<vmem>>
      %dma_wait3A_287 = arith.constant 0 : i32
      %dma_wait3A_288 = tpu.memref_slice %arg5[%add3A_280, %dma_wait3A_287] : memref<128x200xi32, #tpu.memory_space<vmem>> -> memref<1x200xi32, #tpu.memory_space<vmem>>
      %dma_wait3A_289 = tpu.memref_squeeze %dma_wait3A_288 : memref<1x200xi32, #tpu.memory_space<vmem>> -> memref<200xi32, #tpu.memory_space<vmem>>
      %dma_wait3A_290 = arith.constant 0 : i32
      %dma_wait3A_291 = arith.constant 0 : i32
      %dma_wait3A_292 = tpu.memref_slice %arg3[%dma_wait3A_290, %dma_wait3A_291] : memref<1000000x64xf32, #tpu.memory_space<hbm>> -> memref<1000000x64xf32, #tpu.memory_space<hbm>>
      %dma_wait3A_293 = tpu.memref_slice %arg7[%dma_wait3A_282] : memref<4x!tpu.dma_semaphore, #tpu.memory_space<semaphore_mem>> -> memref<1x!tpu.dma_semaphore, #tpu.memory_space<semaphore_mem>>
      %dma_wait3A_294 = tpu.memref_squeeze %dma_wait3A_293 : memref<1x!tpu.dma_semaphore, #tpu.memory_space<semaphore_mem>> -> memref<!tpu.dma_semaphore, #tpu.memory_space<semaphore_mem>>
      tpu.wait_indirect_dma semaphore(%dma_wait3A_294 : memref<!tpu.dma_semaphore, #tpu.memory_space<semaphore_mem>>) src(%dma_wait3A_292 : memref<1000000x64xf32, #tpu.memory_space<hbm>>) dst(%dma_wait3A_286 : memref<200x64xf32, #tpu.memory_space<vmem>>)
      %mul3A_295 = arith.constant 4 : i32
      %mul3A_296 = arith.muli %scan3A_272, %mul3A_295 : i32
      %add3A_297 = arith.constant 0 : i32
      %add3A_298 = arith.addi %mul3A_296, %add3A_297 : i32
      %mul3A_299 = arith.constant 1 : i32
      %mul3A_300 = arith.muli %add3A_298, %mul3A_299 : i32
      %mul3A_301 = arith.constant 200 : i32
      %mul3A_302 = arith.muli %mul3A_300, %mul3A_301 : i32
      %add3A_303 = arith.addi %mul3A_4, %mul3A_302 : i32
      %dma_start3A_304 = arith.constant 0 : i32
      %dma_start3A_305 = arith.constant 0 : i32
      %dma_start3A_306 = arith.constant 0 : i32
      %dma_start3A_307 = arith.constant 0 : i32
      %dma_start3A_308 = tpu.memref_slice %arg6[%dma_start3A_304, %dma_start3A_306, %dma_start3A_307] : memref<4x200x64xf32, #tpu.memory_space<vmem>> -> memref<1x200x64xf32, #tpu.memory_space<vmem>>
      %dma_start3A_309 = tpu.memref_squeeze %dma_start3A_308 : memref<1x200x64xf32, #tpu.memory_space<vmem>> -> memref<200x64xf32, #tpu.memory_space<vmem>>
      %dma_start3A_310 = arith.constant 0 : i32
      %dma_start3A_311 = tpu.memref_slice %arg4[%add3A_303, %dma_start3A_310] : memref<819200x128xf32, #tpu.memory_space<hbm>> -> memref<200x64xf32, #tpu.memory_space<hbm>>
      %dma_start3A_312 = tpu.memref_slice %arg8[%dma_start3A_305] : memref<4x!tpu.dma_semaphore, #tpu.memory_space<semaphore_mem>> -> memref<1x!tpu.dma_semaphore, #tpu.memory_space<semaphore_mem>>
      %dma_start3A_313 = tpu.memref_squeeze %dma_start3A_312 : memref<1x!tpu.dma_semaphore, #tpu.memory_space<semaphore_mem>> -> memref<!tpu.dma_semaphore, #tpu.memory_space<semaphore_mem>>
      %dma_start3A_314 = arith.constant 0 : i32
      %dma_start3A_315 = tpu.memref_slice %arg4[%add3A_303, %dma_start3A_314] : memref<819200x128xf32, #tpu.memory_space<hbm>> -> memref<200x64xf32, #tpu.memory_space<hbm>>
      %dma_start3A_316 = arith.constant 0 : i32
      %dma_start3A_317 = arith.constant 0 : i32
      %dma_start3A_318 = tpu.memref_slice %arg6[%dma_start3A_304, %dma_start3A_316, %dma_start3A_317] : memref<4x200x64xf32, #tpu.memory_space<vmem>> -> memref<1x200x64xf32, #tpu.memory_space<vmem>>
      %dma_start3A_319 = tpu.memref_squeeze %dma_start3A_318 : memref<1x200x64xf32, #tpu.memory_space<vmem>> -> memref<200x64xf32, #tpu.memory_space<vmem>>
      tpu.enqueue_dma source(%dma_start3A_319 : memref<200x64xf32, #tpu.memory_space<vmem>>) target(%dma_start3A_315 : memref<200x64xf32, #tpu.memory_space<hbm>>) target_semaphore(%dma_start3A_313 : memref<!tpu.dma_semaphore, #tpu.memory_space<semaphore_mem>>)
      %mul3A_320 = arith.constant 4 : i32
      %mul3A_321 = arith.muli %scan3A_272, %mul3A_320 : i32
      %add3A_322 = arith.constant 1 : i32
      %add3A_323 = arith.addi %mul3A_321, %add3A_322 : i32
      %mul3A_324 = arith.constant 1 : i32
      %mul3A_325 = arith.muli %mul3A_324, %add3A_323 : i32
      %add3A_326 = arith.constant 0 : i32
      %add3A_327 = arith.addi %mul3A_325, %add3A_326 : i32
      %dma_wait3A_328 = arith.constant 1 : i32
      %dma_wait3A_329 = arith.constant 1 : i32
      %dma_wait3A_330 = arith.constant 0 : i32
      %dma_wait3A_331 = arith.constant 0 : i32
      %dma_wait3A_332 = tpu.memref_slice %arg6[%dma_wait3A_328, %dma_wait3A_330, %dma_wait3A_331] : memref<4x200x64xf32, #tpu.memory_space<vmem>> -> memref<1x200x64xf32, #tpu.memory_space<vmem>>
      %dma_wait3A_333 = tpu.memref_squeeze %dma_wait3A_332 : memref<1x200x64xf32, #tpu.memory_space<vmem>> -> memref<200x64xf32, #tpu.memory_space<vmem>>
      %dma_wait3A_334 = arith.constant 0 : i32
      %dma_wait3A_335 = tpu.memref_slice %arg5[%add3A_327, %dma_wait3A_334] : memref<128x200xi32, #tpu.memory_space<vmem>> -> memref<1x200xi32, #tpu.memory_space<vmem>>
      %dma_wait3A_336 = tpu.memref_squeeze %dma_wait3A_335 : memref<1x200xi32, #tpu.memory_space<vmem>> -> memref<200xi32, #tpu.memory_space<vmem>>
      %dma_wait3A_337 = arith.constant 0 : i32
      %dma_wait3A_338 = arith.constant 0 : i32
      %dma_wait3A_339 = tpu.memref_slice %arg3[%dma_wait3A_337, %dma_wait3A_338] : memref<1000000x64xf32, #tpu.memory_space<hbm>> -> memref<1000000x64xf32, #tpu.memory_space<hbm>>
      %dma_wait3A_340 = tpu.memref_slice %arg7[%dma_wait3A_329] : memref<4x!tpu.dma_semaphore, #tpu.memory_space<semaphore_mem>> -> memref<1x!tpu.dma_semaphore, #tpu.memory_space<semaphore_mem>>
      %dma_wait3A_341 = tpu.memref_squeeze %dma_wait3A_340 : memref<1x!tpu.dma_semaphore, #tpu.memory_space<semaphore_mem>> -> memref<!tpu.dma_semaphore, #tpu.memory_space<semaphore_mem>>
      tpu.wait_indirect_dma semaphore(%dma_wait3A_341 : memref<!tpu.dma_semaphore, #tpu.memory_space<semaphore_mem>>) src(%dma_wait3A_339 : memref<1000000x64xf32, #tpu.memory_space<hbm>>) dst(%dma_wait3A_333 : memref<200x64xf32, #tpu.memory_space<vmem>>)
      %mul3A_342 = arith.constant 4 : i32
      %mul3A_343 = arith.muli %scan3A_272, %mul3A_342 : i32
      %add3A_344 = arith.constant 1 : i32
      %add3A_345 = arith.addi %mul3A_343, %add3A_344 : i32
      %mul3A_346 = arith.constant 1 : i32
      %mul3A_347 = arith.muli %add3A_345, %mul3A_346 : i32
      %mul3A_348 = arith.constant 200 : i32
      %mul3A_349 = arith.muli %mul3A_347, %mul3A_348 : i32
      %add3A_350 = arith.addi %mul3A_4, %mul3A_349 : i32
      %dma_start3A_351 = arith.constant 1 : i32
      %dma_start3A_352 = arith.constant 1 : i32
      %dma_start3A_353 = arith.constant 0 : i32
      %dma_start3A_354 = arith.constant 0 : i32
      %dma_start3A_355 = tpu.memref_slice %arg6[%dma_start3A_351, %dma_start3A_353, %dma_start3A_354] : memref<4x200x64xf32, #tpu.memory_space<vmem>> -> memref<1x200x64xf32, #tpu.memory_space<vmem>>
      %dma_start3A_356 = tpu.memref_squeeze %dma_start3A_355 : memref<1x200x64xf32, #tpu.memory_space<vmem>> -> memref<200x64xf32, #tpu.memory_space<vmem>>
      %dma_start3A_357 = arith.constant 0 : i32
      %dma_start3A_358 = tpu.memref_slice %arg4[%add3A_350, %dma_start3A_357] : memref<819200x128xf32, #tpu.memory_space<hbm>> -> memref<200x64xf32, #tpu.memory_space<hbm>>
      %dma_start3A_359 = tpu.memref_slice %arg8[%dma_start3A_352] : memref<4x!tpu.dma_semaphore, #tpu.memory_space<semaphore_mem>> -> memref<1x!tpu.dma_semaphore, #tpu.memory_space<semaphore_mem>>
      %dma_start3A_360 = tpu.memref_squeeze %dma_start3A_359 : memref<1x!tpu.dma_semaphore, #tpu.memory_space<semaphore_mem>> -> memref<!tpu.dma_semaphore, #tpu.memory_space<semaphore_mem>>
      %dma_start3A_361 = arith.constant 0 : i32
      %dma_start3A_362 = tpu.memref_slice %arg4[%add3A_350, %dma_start3A_361] : memref<819200x128xf32, #tpu.memory_space<hbm>> -> memref<200x64xf32, #tpu.memory_space<hbm>>
      %dma_start3A_363 = arith.constant 0 : i32
      %dma_start3A_364 = arith.constant 0 : i32
      %dma_start3A_365 = tpu.memref_slice %arg6[%dma_start3A_351, %dma_start3A_363, %dma_start3A_364] : memref<4x200x64xf32, #tpu.memory_space<vmem>> -> memref<1x200x64xf32, #tpu.memory_space<vmem>>
      %dma_start3A_366 = tpu.memref_squeeze %dma_start3A_365 : memref<1x200x64xf32, #tpu.memory_space<vmem>> -> memref<200x64xf32, #tpu.memory_space<vmem>>
      tpu.enqueue_dma source(%dma_start3A_366 : memref<200x64xf32, #tpu.memory_space<vmem>>) target(%dma_start3A_362 : memref<200x64xf32, #tpu.memory_space<hbm>>) target_semaphore(%dma_start3A_360 : memref<!tpu.dma_semaphore, #tpu.memory_space<semaphore_mem>>)
      %mul3A_367 = arith.constant 4 : i32
      %mul3A_368 = arith.muli %scan3A_272, %mul3A_367 : i32
      %add3A_369 = arith.constant 2 : i32
      %add3A_370 = arith.addi %mul3A_368, %add3A_369 : i32
      %mul3A_371 = arith.constant 1 : i32
      %mul3A_372 = arith.muli %mul3A_371, %add3A_370 : i32
      %add3A_373 = arith.constant 0 : i32
      %add3A_374 = arith.addi %mul3A_372, %add3A_373 : i32
      %dma_wait3A_375 = arith.constant 2 : i32
      %dma_wait3A_376 = arith.constant 2 : i32
      %dma_wait3A_377 = arith.constant 0 : i32
      %dma_wait3A_378 = arith.constant 0 : i32
      %dma_wait3A_379 = tpu.memref_slice %arg6[%dma_wait3A_375, %dma_wait3A_377, %dma_wait3A_378] : memref<4x200x64xf32, #tpu.memory_space<vmem>> -> memref<1x200x64xf32, #tpu.memory_space<vmem>>
      %dma_wait3A_380 = tpu.memref_squeeze %dma_wait3A_379 : memref<1x200x64xf32, #tpu.memory_space<vmem>> -> memref<200x64xf32, #tpu.memory_space<vmem>>
      %dma_wait3A_381 = arith.constant 0 : i32
      %dma_wait3A_382 = tpu.memref_slice %arg5[%add3A_374, %dma_wait3A_381] : memref<128x200xi32, #tpu.memory_space<vmem>> -> memref<1x200xi32, #tpu.memory_space<vmem>>
      %dma_wait3A_383 = tpu.memref_squeeze %dma_wait3A_382 : memref<1x200xi32, #tpu.memory_space<vmem>> -> memref<200xi32, #tpu.memory_space<vmem>>
      %dma_wait3A_384 = arith.constant 0 : i32
      %dma_wait3A_385 = arith.constant 0 : i32
      %dma_wait3A_386 = tpu.memref_slice %arg3[%dma_wait3A_384, %dma_wait3A_385] : memref<1000000x64xf32, #tpu.memory_space<hbm>> -> memref<1000000x64xf32, #tpu.memory_space<hbm>>
      %dma_wait3A_387 = tpu.memref_slice %arg7[%dma_wait3A_376] : memref<4x!tpu.dma_semaphore, #tpu.memory_space<semaphore_mem>> -> memref<1x!tpu.dma_semaphore, #tpu.memory_space<semaphore_mem>>
      %dma_wait3A_388 = tpu.memref_squeeze %dma_wait3A_387 : memref<1x!tpu.dma_semaphore, #tpu.memory_space<semaphore_mem>> -> memref<!tpu.dma_semaphore, #tpu.memory_space<semaphore_mem>>
      tpu.wait_indirect_dma semaphore(%dma_wait3A_388 : memref<!tpu.dma_semaphore, #tpu.memory_space<semaphore_mem>>) src(%dma_wait3A_386 : memref<1000000x64xf32, #tpu.memory_space<hbm>>) dst(%dma_wait3A_380 : memref<200x64xf32, #tpu.memory_space<vmem>>)
      %mul3A_389 = arith.constant 4 : i32
      %mul3A_390 = arith.muli %scan3A_272, %mul3A_389 : i32
      %add3A_391 = arith.constant 2 : i32
      %add3A_392 = arith.addi %mul3A_390, %add3A_391 : i32
      %mul3A_393 = arith.constant 1 : i32
      %mul3A_394 = arith.muli %add3A_392, %mul3A_393 : i32
      %mul3A_395 = arith.constant 200 : i32
      %mul3A_396 = arith.muli %mul3A_394, %mul3A_395 : i32
      %add3A_397 = arith.addi %mul3A_4, %mul3A_396 : i32
      %dma_start3A_398 = arith.constant 2 : i32
      %dma_start3A_399 = arith.constant 2 : i32
      %dma_start3A_400 = arith.constant 0 : i32
      %dma_start3A_401 = arith.constant 0 : i32
      %dma_start3A_402 = tpu.memref_slice %arg6[%dma_start3A_398, %dma_start3A_400, %dma_start3A_401] : memref<4x200x64xf32, #tpu.memory_space<vmem>> -> memref<1x200x64xf32, #tpu.memory_space<vmem>>
      %dma_start3A_403 = tpu.memref_squeeze %dma_start3A_402 : memref<1x200x64xf32, #tpu.memory_space<vmem>> -> memref<200x64xf32, #tpu.memory_space<vmem>>
      %dma_start3A_404 = arith.constant 0 : i32
      %dma_start3A_405 = tpu.memref_slice %arg4[%add3A_397, %dma_start3A_404] : memref<819200x128xf32, #tpu.memory_space<hbm>> -> memref<200x64xf32, #tpu.memory_space<hbm>>
      %dma_start3A_406 = tpu.memref_slice %arg8[%dma_start3A_399] : memref<4x!tpu.dma_semaphore, #tpu.memory_space<semaphore_mem>> -> memref<1x!tpu.dma_semaphore, #tpu.memory_space<semaphore_mem>>
      %dma_start3A_407 = tpu.memref_squeeze %dma_start3A_406 : memref<1x!tpu.dma_semaphore, #tpu.memory_space<semaphore_mem>> -> memref<!tpu.dma_semaphore, #tpu.memory_space<semaphore_mem>>
      %dma_start3A_408 = arith.constant 0 : i32
      %dma_start3A_409 = tpu.memref_slice %arg4[%add3A_397, %dma_start3A_408] : memref<819200x128xf32, #tpu.memory_space<hbm>> -> memref<200x64xf32, #tpu.memory_space<hbm>>
      %dma_start3A_410 = arith.constant 0 : i32
      %dma_start3A_411 = arith.constant 0 : i32
      %dma_start3A_412 = tpu.memref_slice %arg6[%dma_start3A_398, %dma_start3A_410, %dma_start3A_411] : memref<4x200x64xf32, #tpu.memory_space<vmem>> -> memref<1x200x64xf32, #tpu.memory_space<vmem>>
      %dma_start3A_413 = tpu.memref_squeeze %dma_start3A_412 : memref<1x200x64xf32, #tpu.memory_space<vmem>> -> memref<200x64xf32, #tpu.memory_space<vmem>>
      tpu.enqueue_dma source(%dma_start3A_413 : memref<200x64xf32, #tpu.memory_space<vmem>>) target(%dma_start3A_409 : memref<200x64xf32, #tpu.memory_space<hbm>>) target_semaphore(%dma_start3A_407 : memref<!tpu.dma_semaphore, #tpu.memory_space<semaphore_mem>>)
      %mul3A_414 = arith.constant 4 : i32
      %mul3A_415 = arith.muli %scan3A_272, %mul3A_414 : i32
      %add3A_416 = arith.constant 3 : i32
      %add3A_417 = arith.addi %mul3A_415, %add3A_416 : i32
      %mul3A_418 = arith.constant 1 : i32
      %mul3A_419 = arith.muli %mul3A_418, %add3A_417 : i32
      %add3A_420 = arith.constant 0 : i32
      %add3A_421 = arith.addi %mul3A_419, %add3A_420 : i32
      %dma_wait3A_422 = arith.constant 3 : i32
      %dma_wait3A_423 = arith.constant 3 : i32
      %dma_wait3A_424 = arith.constant 0 : i32
      %dma_wait3A_425 = arith.constant 0 : i32
      %dma_wait3A_426 = tpu.memref_slice %arg6[%dma_wait3A_422, %dma_wait3A_424, %dma_wait3A_425] : memref<4x200x64xf32, #tpu.memory_space<vmem>> -> memref<1x200x64xf32, #tpu.memory_space<vmem>>
      %dma_wait3A_427 = tpu.memref_squeeze %dma_wait3A_426 : memref<1x200x64xf32, #tpu.memory_space<vmem>> -> memref<200x64xf32, #tpu.memory_space<vmem>>
      %dma_wait3A_428 = arith.constant 0 : i32
      %dma_wait3A_429 = tpu.memref_slice %arg5[%add3A_421, %dma_wait3A_428] : memref<128x200xi32, #tpu.memory_space<vmem>> -> memref<1x200xi32, #tpu.memory_space<vmem>>
      %dma_wait3A_430 = tpu.memref_squeeze %dma_wait3A_429 : memref<1x200xi32, #tpu.memory_space<vmem>> -> memref<200xi32, #tpu.memory_space<vmem>>
      %dma_wait3A_431 = arith.constant 0 : i32
      %dma_wait3A_432 = arith.constant 0 : i32
      %dma_wait3A_433 = tpu.memref_slice %arg3[%dma_wait3A_431, %dma_wait3A_432] : memref<1000000x64xf32, #tpu.memory_space<hbm>> -> memref<1000000x64xf32, #tpu.memory_space<hbm>>
      %dma_wait3A_434 = tpu.memref_slice %arg7[%dma_wait3A_423] : memref<4x!tpu.dma_semaphore, #tpu.memory_space<semaphore_mem>> -> memref<1x!tpu.dma_semaphore, #tpu.memory_space<semaphore_mem>>
      %dma_wait3A_435 = tpu.memref_squeeze %dma_wait3A_434 : memref<1x!tpu.dma_semaphore, #tpu.memory_space<semaphore_mem>> -> memref<!tpu.dma_semaphore, #tpu.memory_space<semaphore_mem>>
      tpu.wait_indirect_dma semaphore(%dma_wait3A_435 : memref<!tpu.dma_semaphore, #tpu.memory_space<semaphore_mem>>) src(%dma_wait3A_433 : memref<1000000x64xf32, #tpu.memory_space<hbm>>) dst(%dma_wait3A_427 : memref<200x64xf32, #tpu.memory_space<vmem>>)
      %mul3A_436 = arith.constant 4 : i32
      %mul3A_437 = arith.muli %scan3A_272, %mul3A_436 : i32
      %add3A_438 = arith.constant 3 : i32
      %add3A_439 = arith.addi %mul3A_437, %add3A_438 : i32
      %mul3A_440 = arith.constant 1 : i32
      %mul3A_441 = arith.muli %add3A_439, %mul3A_440 : i32
      %mul3A_442 = arith.constant 200 : i32
      %mul3A_443 = arith.muli %mul3A_441, %mul3A_442 : i32
      %add3A_444 = arith.addi %mul3A_4, %mul3A_443 : i32
      %dma_start3A_445 = arith.constant 3 : i32
      %dma_start3A_446 = arith.constant 3 : i32
      %dma_start3A_447 = arith.constant 0 : i32
      %dma_start3A_448 = arith.constant 0 : i32
      %dma_start3A_449 = tpu.memref_slice %arg6[%dma_start3A_445, %dma_start3A_447, %dma_start3A_448] : memref<4x200x64xf32, #tpu.memory_space<vmem>> -> memref<1x200x64xf32, #tpu.memory_space<vmem>>
      %dma_start3A_450 = tpu.memref_squeeze %dma_start3A_449 : memref<1x200x64xf32, #tpu.memory_space<vmem>> -> memref<200x64xf32, #tpu.memory_space<vmem>>
      %dma_start3A_451 = arith.constant 0 : i32
      %dma_start3A_452 = tpu.memref_slice %arg4[%add3A_444, %dma_start3A_451] : memref<819200x128xf32, #tpu.memory_space<hbm>> -> memref<200x64xf32, #tpu.memory_space<hbm>>
      %dma_start3A_453 = tpu.memref_slice %arg8[%dma_start3A_446] : memref<4x!tpu.dma_semaphore, #tpu.memory_space<semaphore_mem>> -> memref<1x!tpu.dma_semaphore, #tpu.memory_space<semaphore_mem>>
      %dma_start3A_454 = tpu.memref_squeeze %dma_start3A_453 : memref<1x!tpu.dma_semaphore, #tpu.memory_space<semaphore_mem>> -> memref<!tpu.dma_semaphore, #tpu.memory_space<semaphore_mem>>
      %dma_start3A_455 = arith.constant 0 : i32
      %dma_start3A_456 = tpu.memref_slice %arg4[%add3A_444, %dma_start3A_455] : memref<819200x128xf32, #tpu.memory_space<hbm>> -> memref<200x64xf32, #tpu.memory_space<hbm>>
      %dma_start3A_457 = arith.constant 0 : i32
      %dma_start3A_458 = arith.constant 0 : i32
      %dma_start3A_459 = tpu.memref_slice %arg6[%dma_start3A_445, %dma_start3A_457, %dma_start3A_458] : memref<4x200x64xf32, #tpu.memory_space<vmem>> -> memref<1x200x64xf32, #tpu.memory_space<vmem>>
      %dma_start3A_460 = tpu.memref_squeeze %dma_start3A_459 : memref<1x200x64xf32, #tpu.memory_space<vmem>> -> memref<200x64xf32, #tpu.memory_space<vmem>>
      tpu.enqueue_dma source(%dma_start3A_460 : memref<200x64xf32, #tpu.memory_space<vmem>>) target(%dma_start3A_456 : memref<200x64xf32, #tpu.memory_space<hbm>>) target_semaphore(%dma_start3A_454 : memref<!tpu.dma_semaphore, #tpu.memory_space<semaphore_mem>>)
      %mul3A_461 = arith.constant 4 : i32
      %mul3A_462 = arith.muli %scan3A_272, %mul3A_461 : i32
      %add3A_463 = arith.constant 0 : i32
      %add3A_464 = arith.addi %mul3A_462, %add3A_463 : i32
      %mul3A_465 = arith.constant 1 : i32
      %mul3A_466 = arith.muli %add3A_464, %mul3A_465 : i32
      %mul3A_467 = arith.constant 200 : i32
      %mul3A_468 = arith.muli %mul3A_466, %mul3A_467 : i32
      %add3A_469 = arith.addi %mul3A_4, %mul3A_468 : i32
      %dma_wait3A_470 = arith.constant 0 : i32
      %dma_wait3A_471 = arith.constant 0 : i32
      %dma_wait3A_472 = arith.constant 0 : i32
      %dma_wait3A_473 = arith.constant 0 : i32
      %dma_wait3A_474 = tpu.memref_slice %arg6[%dma_wait3A_470, %dma_wait3A_472, %dma_wait3A_473] : memref<4x200x64xf32, #tpu.memory_space<vmem>> -> memref<1x200x64xf32, #tpu.memory_space<vmem>>
      %dma_wait3A_475 = tpu.memref_squeeze %dma_wait3A_474 : memref<1x200x64xf32, #tpu.memory_space<vmem>> -> memref<200x64xf32, #tpu.memory_space<vmem>>
      %dma_wait3A_476 = arith.constant 0 : i32
      %dma_wait3A_477 = tpu.memref_slice %arg4[%add3A_469, %dma_wait3A_476] : memref<819200x128xf32, #tpu.memory_space<hbm>> -> memref<200x64xf32, #tpu.memory_space<hbm>>
      %dma_wait3A_478 = tpu.memref_slice %arg8[%dma_wait3A_471] : memref<4x!tpu.dma_semaphore, #tpu.memory_space<semaphore_mem>> -> memref<1x!tpu.dma_semaphore, #tpu.memory_space<semaphore_mem>>
      %dma_wait3A_479 = tpu.memref_squeeze %dma_wait3A_478 : memref<1x!tpu.dma_semaphore, #tpu.memory_space<semaphore_mem>> -> memref<!tpu.dma_semaphore, #tpu.memory_space<semaphore_mem>>
      %dma_wait3A_480 = arith.constant 0 : i32
      %dma_wait3A_481 = tpu.memref_slice %arg4[%add3A_469, %dma_wait3A_480] : memref<819200x128xf32, #tpu.memory_space<hbm>> -> memref<200x64xf32, #tpu.memory_space<hbm>>
      %dma_wait3A_482 = arith.constant 0 : i32
      %dma_wait3A_483 = arith.constant 0 : i32
      %dma_wait3A_484 = tpu.memref_slice %arg6[%dma_wait3A_470, %dma_wait3A_482, %dma_wait3A_483] : memref<4x200x64xf32, #tpu.memory_space<vmem>> -> memref<1x200x64xf32, #tpu.memory_space<vmem>>
      %dma_wait3A_485 = tpu.memref_squeeze %dma_wait3A_484 : memref<1x200x64xf32, #tpu.memory_space<vmem>> -> memref<200x64xf32, #tpu.memory_space<vmem>>
      tpu.wait_dma2 semaphore(%dma_wait3A_479 : memref<!tpu.dma_semaphore, #tpu.memory_space<semaphore_mem>>) src(%dma_wait3A_485 : memref<200x64xf32, #tpu.memory_space<vmem>>) dst(%dma_wait3A_481 : memref<200x64xf32, #tpu.memory_space<hbm>>)
      %add3A_486 = arith.constant 1 : i32
      %add3A_487 = arith.addi %scan3A_272, %add3A_486 : i32
      %mul3A_488 = arith.constant 4 : i32
      %mul3A_489 = arith.muli %add3A_487, %mul3A_488 : i32
      %add3A_490 = arith.constant 0 : i32
      %add3A_491 = arith.addi %mul3A_489, %add3A_490 : i32
      %mul3A_492 = arith.constant 1 : i32
      %mul3A_493 = arith.muli %mul3A_492, %add3A_491 : i32
      %add3A_494 = arith.constant 0 : i32
      %add3A_495 = arith.addi %mul3A_493, %add3A_494 : i32
      %dma_start3A_496 = arith.constant 0 : i32
      %dma_start3A_497 = arith.constant 0 : i32
      %dma_start3A_498 = arith.constant 0 : i32
      %dma_start3A_499 = arith.constant 0 : i32
      %dma_start3A_500 = tpu.memref_slice %arg6[%dma_start3A_496, %dma_start3A_498, %dma_start3A_499] : memref<4x200x64xf32, #tpu.memory_space<vmem>> -> memref<1x200x64xf32, #tpu.memory_space<vmem>>
      %dma_start3A_501 = tpu.memref_squeeze %dma_start3A_500 : memref<1x200x64xf32, #tpu.memory_space<vmem>> -> memref<200x64xf32, #tpu.memory_space<vmem>>
      %dma_start3A_502 = arith.constant 0 : i32
      %dma_start3A_503 = tpu.memref_slice %arg5[%add3A_495, %dma_start3A_502] : memref<128x200xi32, #tpu.memory_space<vmem>> -> memref<1x200xi32, #tpu.memory_space<vmem>>
      %dma_start3A_504 = tpu.memref_squeeze %dma_start3A_503 : memref<1x200xi32, #tpu.memory_space<vmem>> -> memref<200xi32, #tpu.memory_space<vmem>>
      %dma_start3A_505 = arith.constant 0 : i32
      %dma_start3A_506 = arith.constant 0 : i32
      %dma_start3A_507 = tpu.memref_slice %arg3[%dma_start3A_505, %dma_start3A_506] : memref<1000000x64xf32, #tpu.memory_space<hbm>> -> memref<1000000x64xf32, #tpu.memory_space<hbm>>
      %dma_start3A_508 = tpu.memref_slice %arg7[%dma_start3A_497] : memref<4x!tpu.dma_semaphore, #tpu.memory_space<semaphore_mem>> -> memref<1x!tpu.dma_semaphore, #tpu.memory_space<semaphore_mem>>
      %dma_start3A_509 = tpu.memref_squeeze %dma_start3A_508 : memref<1x!tpu.dma_semaphore, #tpu.memory_space<semaphore_mem>> -> memref<!tpu.dma_semaphore, #tpu.memory_space<semaphore_mem>>
      tpu.enqueue_indirect_dma source(%dma_start3A_507 : memref<1000000x64xf32, #tpu.memory_space<hbm>>) target(%dma_start3A_501 : memref<200x64xf32, #tpu.memory_space<vmem>>) offsets(%dma_start3A_504 : memref<200xi32, #tpu.memory_space<vmem>>) semaphore(%dma_start3A_509 : memref<!tpu.dma_semaphore, #tpu.memory_space<semaphore_mem>>)
      %mul3A_510 = arith.constant 4 : i32
      %mul3A_511 = arith.muli %scan3A_272, %mul3A_510 : i32
      %add3A_512 = arith.constant 1 : i32
      %add3A_513 = arith.addi %mul3A_511, %add3A_512 : i32
      %mul3A_514 = arith.constant 1 : i32
      %mul3A_515 = arith.muli %add3A_513, %mul3A_514 : i32
      %mul3A_516 = arith.constant 200 : i32
      %mul3A_517 = arith.muli %mul3A_515, %mul3A_516 : i32
      %add3A_518 = arith.addi %mul3A_4, %mul3A_517 : i32
      %dma_wait3A_519 = arith.constant 1 : i32
      %dma_wait3A_520 = arith.constant 1 : i32
      %dma_wait3A_521 = arith.constant 0 : i32
      %dma_wait3A_522 = arith.constant 0 : i32
      %dma_wait3A_523 = tpu.memref_slice %arg6[%dma_wait3A_519, %dma_wait3A_521, %dma_wait3A_522] : memref<4x200x64xf32, #tpu.memory_space<vmem>> -> memref<1x200x64xf32, #tpu.memory_space<vmem>>
      %dma_wait3A_524 = tpu.memref_squeeze %dma_wait3A_523 : memref<1x200x64xf32, #tpu.memory_space<vmem>> -> memref<200x64xf32, #tpu.memory_space<vmem>>
      %dma_wait3A_525 = arith.constant 0 : i32
      %dma_wait3A_526 = tpu.memref_slice %arg4[%add3A_518, %dma_wait3A_525] : memref<819200x128xf32, #tpu.memory_space<hbm>> -> memref<200x64xf32, #tpu.memory_space<hbm>>
      %dma_wait3A_527 = tpu.memref_slice %arg8[%dma_wait3A_520] : memref<4x!tpu.dma_semaphore, #tpu.memory_space<semaphore_mem>> -> memref<1x!tpu.dma_semaphore, #tpu.memory_space<semaphore_mem>>
      %dma_wait3A_528 = tpu.memref_squeeze %dma_wait3A_527 : memref<1x!tpu.dma_semaphore, #tpu.memory_space<semaphore_mem>> -> memref<!tpu.dma_semaphore, #tpu.memory_space<semaphore_mem>>
      %dma_wait3A_529 = arith.constant 0 : i32
      %dma_wait3A_530 = tpu.memref_slice %arg4[%add3A_518, %dma_wait3A_529] : memref<819200x128xf32, #tpu.memory_space<hbm>> -> memref<200x64xf32, #tpu.memory_space<hbm>>
      %dma_wait3A_531 = arith.constant 0 : i32
      %dma_wait3A_532 = arith.constant 0 : i32
      %dma_wait3A_533 = tpu.memref_slice %arg6[%dma_wait3A_519, %dma_wait3A_531, %dma_wait3A_532] : memref<4x200x64xf32, #tpu.memory_space<vmem>> -> memref<1x200x64xf32, #tpu.memory_space<vmem>>
      %dma_wait3A_534 = tpu.memref_squeeze %dma_wait3A_533 : memref<1x200x64xf32, #tpu.memory_space<vmem>> -> memref<200x64xf32, #tpu.memory_space<vmem>>
      tpu.wait_dma2 semaphore(%dma_wait3A_528 : memref<!tpu.dma_semaphore, #tpu.memory_space<semaphore_mem>>) src(%dma_wait3A_534 : memref<200x64xf32, #tpu.memory_space<vmem>>) dst(%dma_wait3A_530 : memref<200x64xf32, #tpu.memory_space<hbm>>)
      %add3A_535 = arith.constant 1 : i32
      %add3A_536 = arith.addi %scan3A_272, %add3A_535 : i32
      %mul3A_537 = arith.constant 4 : i32
      %mul3A_538 = arith.muli %add3A_536, %mul3A_537 : i32
      %add3A_539 = arith.constant 1 : i32
      %add3A_540 = arith.addi %mul3A_538, %add3A_539 : i32
      %mul3A_541 = arith.constant 1 : i32
      %mul3A_542 = arith.muli %mul3A_541, %add3A_540 : i32
      %add3A_543 = arith.constant 0 : i32
      %add3A_544 = arith.addi %mul3A_542, %add3A_543 : i32
      %dma_start3A_545 = arith.constant 1 : i32
      %dma_start3A_546 = arith.constant 1 : i32
      %dma_start3A_547 = arith.constant 0 : i32
      %dma_start3A_548 = arith.constant 0 : i32
      %dma_start3A_549 = tpu.memref_slice %arg6[%dma_start3A_545, %dma_start3A_547, %dma_start3A_548] : memref<4x200x64xf32, #tpu.memory_space<vmem>> -> memref<1x200x64xf32, #tpu.memory_space<vmem>>
      %dma_start3A_550 = tpu.memref_squeeze %dma_start3A_549 : memref<1x200x64xf32, #tpu.memory_space<vmem>> -> memref<200x64xf32, #tpu.memory_space<vmem>>
      %dma_start3A_551 = arith.constant 0 : i32
      %dma_start3A_552 = tpu.memref_slice %arg5[%add3A_544, %dma_start3A_551] : memref<128x200xi32, #tpu.memory_space<vmem>> -> memref<1x200xi32, #tpu.memory_space<vmem>>
      %dma_start3A_553 = tpu.memref_squeeze %dma_start3A_552 : memref<1x200xi32, #tpu.memory_space<vmem>> -> memref<200xi32, #tpu.memory_space<vmem>>
      %dma_start3A_554 = arith.constant 0 : i32
      %dma_start3A_555 = arith.constant 0 : i32
      %dma_start3A_556 = tpu.memref_slice %arg3[%dma_start3A_554, %dma_start3A_555] : memref<1000000x64xf32, #tpu.memory_space<hbm>> -> memref<1000000x64xf32, #tpu.memory_space<hbm>>
      %dma_start3A_557 = tpu.memref_slice %arg7[%dma_start3A_546] : memref<4x!tpu.dma_semaphore, #tpu.memory_space<semaphore_mem>> -> memref<1x!tpu.dma_semaphore, #tpu.memory_space<semaphore_mem>>
      %dma_start3A_558 = tpu.memref_squeeze %dma_start3A_557 : memref<1x!tpu.dma_semaphore, #tpu.memory_space<semaphore_mem>> -> memref<!tpu.dma_semaphore, #tpu.memory_space<semaphore_mem>>
      tpu.enqueue_indirect_dma source(%dma_start3A_556 : memref<1000000x64xf32, #tpu.memory_space<hbm>>) target(%dma_start3A_550 : memref<200x64xf32, #tpu.memory_space<vmem>>) offsets(%dma_start3A_553 : memref<200xi32, #tpu.memory_space<vmem>>) semaphore(%dma_start3A_558 : memref<!tpu.dma_semaphore, #tpu.memory_space<semaphore_mem>>)
      %mul3A_559 = arith.constant 4 : i32
      %mul3A_560 = arith.muli %scan3A_272, %mul3A_559 : i32
      %add3A_561 = arith.constant 2 : i32
      %add3A_562 = arith.addi %mul3A_560, %add3A_561 : i32
      %mul3A_563 = arith.constant 1 : i32
      %mul3A_564 = arith.muli %add3A_562, %mul3A_563 : i32
      %mul3A_565 = arith.constant 200 : i32
      %mul3A_566 = arith.muli %mul3A_564, %mul3A_565 : i32
      %add3A_567 = arith.addi %mul3A_4, %mul3A_566 : i32
      %dma_wait3A_568 = arith.constant 2 : i32
      %dma_wait3A_569 = arith.constant 2 : i32
      %dma_wait3A_570 = arith.constant 0 : i32
      %dma_wait3A_571 = arith.constant 0 : i32
      %dma_wait3A_572 = tpu.memref_slice %arg6[%dma_wait3A_568, %dma_wait3A_570, %dma_wait3A_571] : memref<4x200x64xf32, #tpu.memory_space<vmem>> -> memref<1x200x64xf32, #tpu.memory_space<vmem>>
      %dma_wait3A_573 = tpu.memref_squeeze %dma_wait3A_572 : memref<1x200x64xf32, #tpu.memory_space<vmem>> -> memref<200x64xf32, #tpu.memory_space<vmem>>
      %dma_wait3A_574 = arith.constant 0 : i32
      %dma_wait3A_575 = tpu.memref_slice %arg4[%add3A_567, %dma_wait3A_574] : memref<819200x128xf32, #tpu.memory_space<hbm>> -> memref<200x64xf32, #tpu.memory_space<hbm>>
      %dma_wait3A_576 = tpu.memref_slice %arg8[%dma_wait3A_569] : memref<4x!tpu.dma_semaphore, #tpu.memory_space<semaphore_mem>> -> memref<1x!tpu.dma_semaphore, #tpu.memory_space<semaphore_mem>>
      %dma_wait3A_577 = tpu.memref_squeeze %dma_wait3A_576 : memref<1x!tpu.dma_semaphore, #tpu.memory_space<semaphore_mem>> -> memref<!tpu.dma_semaphore, #tpu.memory_space<semaphore_mem>>
      %dma_wait3A_578 = arith.constant 0 : i32
      %dma_wait3A_579 = tpu.memref_slice %arg4[%add3A_567, %dma_wait3A_578] : memref<819200x128xf32, #tpu.memory_space<hbm>> -> memref<200x64xf32, #tpu.memory_space<hbm>>
      %dma_wait3A_580 = arith.constant 0 : i32
      %dma_wait3A_581 = arith.constant 0 : i32
      %dma_wait3A_582 = tpu.memref_slice %arg6[%dma_wait3A_568, %dma_wait3A_580, %dma_wait3A_581] : memref<4x200x64xf32, #tpu.memory_space<vmem>> -> memref<1x200x64xf32, #tpu.memory_space<vmem>>
      %dma_wait3A_583 = tpu.memref_squeeze %dma_wait3A_582 : memref<1x200x64xf32, #tpu.memory_space<vmem>> -> memref<200x64xf32, #tpu.memory_space<vmem>>
      tpu.wait_dma2 semaphore(%dma_wait3A_577 : memref<!tpu.dma_semaphore, #tpu.memory_space<semaphore_mem>>) src(%dma_wait3A_583 : memref<200x64xf32, #tpu.memory_space<vmem>>) dst(%dma_wait3A_579 : memref<200x64xf32, #tpu.memory_space<hbm>>)
      %add3A_584 = arith.constant 1 : i32
      %add3A_585 = arith.addi %scan3A_272, %add3A_584 : i32
      %mul3A_586 = arith.constant 4 : i32
      %mul3A_587 = arith.muli %add3A_585, %mul3A_586 : i32
      %add3A_588 = arith.constant 2 : i32
      %add3A_589 = arith.addi %mul3A_587, %add3A_588 : i32
      %mul3A_590 = arith.constant 1 : i32
      %mul3A_591 = arith.muli %mul3A_590, %add3A_589 : i32
      %add3A_592 = arith.constant 0 : i32
      %add3A_593 = arith.addi %mul3A_591, %add3A_592 : i32
      %dma_start3A_594 = arith.constant 2 : i32
      %dma_start3A_595 = arith.constant 2 : i32
      %dma_start3A_596 = arith.constant 0 : i32
      %dma_start3A_597 = arith.constant 0 : i32
      %dma_start3A_598 = tpu.memref_slice %arg6[%dma_start3A_594, %dma_start3A_596, %dma_start3A_597] : memref<4x200x64xf32, #tpu.memory_space<vmem>> -> memref<1x200x64xf32, #tpu.memory_space<vmem>>
      %dma_start3A_599 = tpu.memref_squeeze %dma_start3A_598 : memref<1x200x64xf32, #tpu.memory_space<vmem>> -> memref<200x64xf32, #tpu.memory_space<vmem>>
      %dma_start3A_600 = arith.constant 0 : i32
      %dma_start3A_601 = tpu.memref_slice %arg5[%add3A_593, %dma_start3A_600] : memref<128x200xi32, #tpu.memory_space<vmem>> -> memref<1x200xi32, #tpu.memory_space<vmem>>
      %dma_start3A_602 = tpu.memref_squeeze %dma_start3A_601 : memref<1x200xi32, #tpu.memory_space<vmem>> -> memref<200xi32, #tpu.memory_space<vmem>>
      %dma_start3A_603 = arith.constant 0 : i32
      %dma_start3A_604 = arith.constant 0 : i32
      %dma_start3A_605 = tpu.memref_slice %arg3[%dma_start3A_603, %dma_start3A_604] : memref<1000000x64xf32, #tpu.memory_space<hbm>> -> memref<1000000x64xf32, #tpu.memory_space<hbm>>
      %dma_start3A_606 = tpu.memref_slice %arg7[%dma_start3A_595] : memref<4x!tpu.dma_semaphore, #tpu.memory_space<semaphore_mem>> -> memref<1x!tpu.dma_semaphore, #tpu.memory_space<semaphore_mem>>
      %dma_start3A_607 = tpu.memref_squeeze %dma_start3A_606 : memref<1x!tpu.dma_semaphore, #tpu.memory_space<semaphore_mem>> -> memref<!tpu.dma_semaphore, #tpu.memory_space<semaphore_mem>>
      tpu.enqueue_indirect_dma source(%dma_start3A_605 : memref<1000000x64xf32, #tpu.memory_space<hbm>>) target(%dma_start3A_599 : memref<200x64xf32, #tpu.memory_space<vmem>>) offsets(%dma_start3A_602 : memref<200xi32, #tpu.memory_space<vmem>>) semaphore(%dma_start3A_607 : memref<!tpu.dma_semaphore, #tpu.memory_space<semaphore_mem>>)
      %mul3A_608 = arith.constant 4 : i32
      %mul3A_609 = arith.muli %scan3A_272, %mul3A_608 : i32
      %add3A_610 = arith.constant 3 : i32
      %add3A_611 = arith.addi %mul3A_609, %add3A_610 : i32
      %mul3A_612 = arith.constant 1 : i32
      %mul3A_613 = arith.muli %add3A_611, %mul3A_612 : i32
      %mul3A_614 = arith.constant 200 : i32
      %mul3A_615 = arith.muli %mul3A_613, %mul3A_614 : i32
      %add3A_616 = arith.addi %mul3A_4, %mul3A_615 : i32
      %dma_wait3A_617 = arith.constant 3 : i32
      %dma_wait3A_618 = arith.constant 3 : i32
      %dma_wait3A_619 = arith.constant 0 : i32
      %dma_wait3A_620 = arith.constant 0 : i32
      %dma_wait3A_621 = tpu.memref_slice %arg6[%dma_wait3A_617, %dma_wait3A_619, %dma_wait3A_620] : memref<4x200x64xf32, #tpu.memory_space<vmem>> -> memref<1x200x64xf32, #tpu.memory_space<vmem>>
      %dma_wait3A_622 = tpu.memref_squeeze %dma_wait3A_621 : memref<1x200x64xf32, #tpu.memory_space<vmem>> -> memref<200x64xf32, #tpu.memory_space<vmem>>
      %dma_wait3A_623 = arith.constant 0 : i32
      %dma_wait3A_624 = tpu.memref_slice %arg4[%add3A_616, %dma_wait3A_623] : memref<819200x128xf32, #tpu.memory_space<hbm>> -> memref<200x64xf32, #tpu.memory_space<hbm>>
      %dma_wait3A_625 = tpu.memref_slice %arg8[%dma_wait3A_618] : memref<4x!tpu.dma_semaphore, #tpu.memory_space<semaphore_mem>> -> memref<1x!tpu.dma_semaphore, #tpu.memory_space<semaphore_mem>>
      %dma_wait3A_626 = tpu.memref_squeeze %dma_wait3A_625 : memref<1x!tpu.dma_semaphore, #tpu.memory_space<semaphore_mem>> -> memref<!tpu.dma_semaphore, #tpu.memory_space<semaphore_mem>>
      %dma_wait3A_627 = arith.constant 0 : i32
      %dma_wait3A_628 = tpu.memref_slice %arg4[%add3A_616, %dma_wait3A_627] : memref<819200x128xf32, #tpu.memory_space<hbm>> -> memref<200x64xf32, #tpu.memory_space<hbm>>
      %dma_wait3A_629 = arith.constant 0 : i32
      %dma_wait3A_630 = arith.constant 0 : i32
      %dma_wait3A_631 = tpu.memref_slice %arg6[%dma_wait3A_617, %dma_wait3A_629, %dma_wait3A_630] : memref<4x200x64xf32, #tpu.memory_space<vmem>> -> memref<1x200x64xf32, #tpu.memory_space<vmem>>
      %dma_wait3A_632 = tpu.memref_squeeze %dma_wait3A_631 : memref<1x200x64xf32, #tpu.memory_space<vmem>> -> memref<200x64xf32, #tpu.memory_space<vmem>>
      tpu.wait_dma2 semaphore(%dma_wait3A_626 : memref<!tpu.dma_semaphore, #tpu.memory_space<semaphore_mem>>) src(%dma_wait3A_632 : memref<200x64xf32, #tpu.memory_space<vmem>>) dst(%dma_wait3A_628 : memref<200x64xf32, #tpu.memory_space<hbm>>)
      %add3A_633 = arith.constant 1 : i32
      %add3A_634 = arith.addi %scan3A_272, %add3A_633 : i32
      %mul3A_635 = arith.constant 4 : i32
      %mul3A_636 = arith.muli %add3A_634, %mul3A_635 : i32
      %add3A_637 = arith.constant 3 : i32
      %add3A_638 = arith.addi %mul3A_636, %add3A_637 : i32
      %mul3A_639 = arith.constant 1 : i32
      %mul3A_640 = arith.muli %mul3A_639, %add3A_638 : i32
      %add3A_641 = arith.constant 0 : i32
      %add3A_642 = arith.addi %mul3A_640, %add3A_641 : i32
      %dma_start3A_643 = arith.constant 3 : i32
      %dma_start3A_644 = arith.constant 3 : i32
      %dma_start3A_645 = arith.constant 0 : i32
      %dma_start3A_646 = arith.constant 0 : i32
      %dma_start3A_647 = tpu.memref_slice %arg6[%dma_start3A_643, %dma_start3A_645, %dma_start3A_646] : memref<4x200x64xf32, #tpu.memory_space<vmem>> -> memref<1x200x64xf32, #tpu.memory_space<vmem>>
      %dma_start3A_648 = tpu.memref_squeeze %dma_start3A_647 : memref<1x200x64xf32, #tpu.memory_space<vmem>> -> memref<200x64xf32, #tpu.memory_space<vmem>>
      %dma_start3A_649 = arith.constant 0 : i32
      %dma_start3A_650 = tpu.memref_slice %arg5[%add3A_642, %dma_start3A_649] : memref<128x200xi32, #tpu.memory_space<vmem>> -> memref<1x200xi32, #tpu.memory_space<vmem>>
      %dma_start3A_651 = tpu.memref_squeeze %dma_start3A_650 : memref<1x200xi32, #tpu.memory_space<vmem>> -> memref<200xi32, #tpu.memory_space<vmem>>
      %dma_start3A_652 = arith.constant 0 : i32
      %dma_start3A_653 = arith.constant 0 : i32
      %dma_start3A_654 = tpu.memref_slice %arg3[%dma_start3A_652, %dma_start3A_653] : memref<1000000x64xf32, #tpu.memory_space<hbm>> -> memref<1000000x64xf32, #tpu.memory_space<hbm>>
      %dma_start3A_655 = tpu.memref_slice %arg7[%dma_start3A_644] : memref<4x!tpu.dma_semaphore, #tpu.memory_space<semaphore_mem>> -> memref<1x!tpu.dma_semaphore, #tpu.memory_space<semaphore_mem>>
      %dma_start3A_656 = tpu.memref_squeeze %dma_start3A_655 : memref<1x!tpu.dma_semaphore, #tpu.memory_space<semaphore_mem>> -> memref<!tpu.dma_semaphore, #tpu.memory_space<semaphore_mem>>
      tpu.enqueue_indirect_dma source(%dma_start3A_654 : memref<1000000x64xf32, #tpu.memory_space<hbm>>) target(%dma_start3A_648 : memref<200x64xf32, #tpu.memory_space<vmem>>) offsets(%dma_start3A_651 : memref<200xi32, #tpu.memory_space<vmem>>) semaphore(%dma_start3A_656 : memref<!tpu.dma_semaphore, #tpu.memory_space<semaphore_mem>>)
    }
    %scan3A_68 = arith.constant 31 : i32
    %dma_wait3A = arith.constant 124 : i32
    %dma_wait3A_69 = arith.constant 0 : i32
    %dma_wait3A_70 = arith.constant 0 : i32
    %dma_wait3A_71 = arith.constant 0 : i32
    %dma_wait3A_72 = arith.constant 0 : i32
    %dma_wait3A_73 = tpu.memref_slice %arg6[%dma_wait3A_69, %dma_wait3A_71, %dma_wait3A_72] : memref<4x200x64xf32, #tpu.memory_space<vmem>> -> memref<1x200x64xf32, #tpu.memory_space<vmem>>
    %dma_wait3A_74 = tpu.memref_squeeze %dma_wait3A_73 : memref<1x200x64xf32, #tpu.memory_space<vmem>> -> memref<200x64xf32, #tpu.memory_space<vmem>>
    %dma_wait3A_75 = arith.constant 0 : i32
    %dma_wait3A_76 = tpu.memref_slice %arg5[%dma_wait3A, %dma_wait3A_75] : memref<128x200xi32, #tpu.memory_space<vmem>> -> memref<1x200xi32, #tpu.memory_space<vmem>>
    %dma_wait3A_77 = tpu.memref_squeeze %dma_wait3A_76 : memref<1x200xi32, #tpu.memory_space<vmem>> -> memref<200xi32, #tpu.memory_space<vmem>>
    %dma_wait3A_78 = arith.constant 0 : i32
    %dma_wait3A_79 = arith.constant 0 : i32
    %dma_wait3A_80 = tpu.memref_slice %arg3[%dma_wait3A_78, %dma_wait3A_79] : memref<1000000x64xf32, #tpu.memory_space<hbm>> -> memref<1000000x64xf32, #tpu.memory_space<hbm>>
    %dma_wait3A_81 = tpu.memref_slice %arg7[%dma_wait3A_70] : memref<4x!tpu.dma_semaphore, #tpu.memory_space<semaphore_mem>> -> memref<1x!tpu.dma_semaphore, #tpu.memory_space<semaphore_mem>>
    %dma_wait3A_82 = tpu.memref_squeeze %dma_wait3A_81 : memref<1x!tpu.dma_semaphore, #tpu.memory_space<semaphore_mem>> -> memref<!tpu.dma_semaphore, #tpu.memory_space<semaphore_mem>>
    tpu.wait_indirect_dma semaphore(%dma_wait3A_82 : memref<!tpu.dma_semaphore, #tpu.memory_space<semaphore_mem>>) src(%dma_wait3A_80 : memref<1000000x64xf32, #tpu.memory_space<hbm>>) dst(%dma_wait3A_74 : memref<200x64xf32, #tpu.memory_space<vmem>>)
    %add3A_83 = arith.constant 24800 : i32
    %add3A_84 = arith.addi %mul3A_4, %add3A_83 : i32
    %dma_start3A_85 = arith.constant 0 : i32
    %dma_start3A_86 = arith.constant 0 : i32
    %dma_start3A_87 = arith.constant 0 : i32
    %dma_start3A_88 = arith.constant 0 : i32
    %dma_start3A_89 = tpu.memref_slice %arg6[%dma_start3A_85, %dma_start3A_87, %dma_start3A_88] : memref<4x200x64xf32, #tpu.memory_space<vmem>> -> memref<1x200x64xf32, #tpu.memory_space<vmem>>
    %dma_start3A_90 = tpu.memref_squeeze %dma_start3A_89 : memref<1x200x64xf32, #tpu.memory_space<vmem>> -> memref<200x64xf32, #tpu.memory_space<vmem>>
    %dma_start3A_91 = arith.constant 0 : i32
    %dma_start3A_92 = tpu.memref_slice %arg4[%add3A_84, %dma_start3A_91] : memref<819200x128xf32, #tpu.memory_space<hbm>> -> memref<200x64xf32, #tpu.memory_space<hbm>>
    %dma_start3A_93 = tpu.memref_slice %arg8[%dma_start3A_86] : memref<4x!tpu.dma_semaphore, #tpu.memory_space<semaphore_mem>> -> memref<1x!tpu.dma_semaphore, #tpu.memory_space<semaphore_mem>>
    %dma_start3A_94 = tpu.memref_squeeze %dma_start3A_93 : memref<1x!tpu.dma_semaphore, #tpu.memory_space<semaphore_mem>> -> memref<!tpu.dma_semaphore, #tpu.memory_space<semaphore_mem>>
    %dma_start3A_95 = arith.constant 0 : i32
    %dma_start3A_96 = tpu.memref_slice %arg4[%add3A_84, %dma_start3A_95] : memref<819200x128xf32, #tpu.memory_space<hbm>> -> memref<200x64xf32, #tpu.memory_space<hbm>>
    %dma_start3A_97 = arith.constant 0 : i32
    %dma_start3A_98 = arith.constant 0 : i32
    %dma_start3A_99 = tpu.memref_slice %arg6[%dma_start3A_85, %dma_start3A_97, %dma_start3A_98] : memref<4x200x64xf32, #tpu.memory_space<vmem>> -> memref<1x200x64xf32, #tpu.memory_space<vmem>>
    %dma_start3A_100 = tpu.memref_squeeze %dma_start3A_99 : memref<1x200x64xf32, #tpu.memory_space<vmem>> -> memref<200x64xf32, #tpu.memory_space<vmem>>
    tpu.enqueue_dma source(%dma_start3A_100 : memref<200x64xf32, #tpu.memory_space<vmem>>) target(%dma_start3A_96 : memref<200x64xf32, #tpu.memory_space<hbm>>) target_semaphore(%dma_start3A_94 : memref<!tpu.dma_semaphore, #tpu.memory_space<semaphore_mem>>)
    %dma_wait3A_101 = arith.constant 125 : i32
    %dma_wait3A_102 = arith.constant 1 : i32
    %dma_wait3A_103 = arith.constant 1 : i32
    %dma_wait3A_104 = arith.constant 0 : i32
    %dma_wait3A_105 = arith.constant 0 : i32
    %dma_wait3A_106 = tpu.memref_slice %arg6[%dma_wait3A_102, %dma_wait3A_104, %dma_wait3A_105] : memref<4x200x64xf32, #tpu.memory_space<vmem>> -> memref<1x200x64xf32, #tpu.memory_space<vmem>>
    %dma_wait3A_107 = tpu.memref_squeeze %dma_wait3A_106 : memref<1x200x64xf32, #tpu.memory_space<vmem>> -> memref<200x64xf32, #tpu.memory_space<vmem>>
    %dma_wait3A_108 = arith.constant 0 : i32
    %dma_wait3A_109 = tpu.memref_slice %arg5[%dma_wait3A_101, %dma_wait3A_108] : memref<128x200xi32, #tpu.memory_space<vmem>> -> memref<1x200xi32, #tpu.memory_space<vmem>>
    %dma_wait3A_110 = tpu.memref_squeeze %dma_wait3A_109 : memref<1x200xi32, #tpu.memory_space<vmem>> -> memref<200xi32, #tpu.memory_space<vmem>>
    %dma_wait3A_111 = arith.constant 0 : i32
    %dma_wait3A_112 = arith.constant 0 : i32
    %dma_wait3A_113 = tpu.memref_slice %arg3[%dma_wait3A_111, %dma_wait3A_112] : memref<1000000x64xf32, #tpu.memory_space<hbm>> -> memref<1000000x64xf32, #tpu.memory_space<hbm>>
    %dma_wait3A_114 = tpu.memref_slice %arg7[%dma_wait3A_103] : memref<4x!tpu.dma_semaphore, #tpu.memory_space<semaphore_mem>> -> memref<1x!tpu.dma_semaphore, #tpu.memory_space<semaphore_mem>>
    %dma_wait3A_115 = tpu.memref_squeeze %dma_wait3A_114 : memref<1x!tpu.dma_semaphore, #tpu.memory_space<semaphore_mem>> -> memref<!tpu.dma_semaphore, #tpu.memory_space<semaphore_mem>>
    tpu.wait_indirect_dma semaphore(%dma_wait3A_115 : memref<!tpu.dma_semaphore, #tpu.memory_space<semaphore_mem>>) src(%dma_wait3A_113 : memref<1000000x64xf32, #tpu.memory_space<hbm>>) dst(%dma_wait3A_107 : memref<200x64xf32, #tpu.memory_space<vmem>>)
    %add3A_116 = arith.constant 25000 : i32
    %add3A_117 = arith.addi %mul3A_4, %add3A_116 : i32
    %dma_start3A_118 = arith.constant 1 : i32
    %dma_start3A_119 = arith.constant 1 : i32
    %dma_start3A_120 = arith.constant 0 : i32
    %dma_start3A_121 = arith.constant 0 : i32
    %dma_start3A_122 = tpu.memref_slice %arg6[%dma_start3A_118, %dma_start3A_120, %dma_start3A_121] : memref<4x200x64xf32, #tpu.memory_space<vmem>> -> memref<1x200x64xf32, #tpu.memory_space<vmem>>
    %dma_start3A_123 = tpu.memref_squeeze %dma_start3A_122 : memref<1x200x64xf32, #tpu.memory_space<vmem>> -> memref<200x64xf32, #tpu.memory_space<vmem>>
    %dma_start3A_124 = arith.constant 0 : i32
    %dma_start3A_125 = tpu.memref_slice %arg4[%add3A_117, %dma_start3A_124] : memref<819200x128xf32, #tpu.memory_space<hbm>> -> memref<200x64xf32, #tpu.memory_space<hbm>>
    %dma_start3A_126 = tpu.memref_slice %arg8[%dma_start3A_119] : memref<4x!tpu.dma_semaphore, #tpu.memory_space<semaphore_mem>> -> memref<1x!tpu.dma_semaphore, #tpu.memory_space<semaphore_mem>>
    %dma_start3A_127 = tpu.memref_squeeze %dma_start3A_126 : memref<1x!tpu.dma_semaphore, #tpu.memory_space<semaphore_mem>> -> memref<!tpu.dma_semaphore, #tpu.memory_space<semaphore_mem>>
    %dma_start3A_128 = arith.constant 0 : i32
    %dma_start3A_129 = tpu.memref_slice %arg4[%add3A_117, %dma_start3A_128] : memref<819200x128xf32, #tpu.memory_space<hbm>> -> memref<200x64xf32, #tpu.memory_space<hbm>>
    %dma_start3A_130 = arith.constant 0 : i32
    %dma_start3A_131 = arith.constant 0 : i32
    %dma_start3A_132 = tpu.memref_slice %arg6[%dma_start3A_118, %dma_start3A_130, %dma_start3A_131] : memref<4x200x64xf32, #tpu.memory_space<vmem>> -> memref<1x200x64xf32, #tpu.memory_space<vmem>>
    %dma_start3A_133 = tpu.memref_squeeze %dma_start3A_132 : memref<1x200x64xf32, #tpu.memory_space<vmem>> -> memref<200x64xf32, #tpu.memory_space<vmem>>
    tpu.enqueue_dma source(%dma_start3A_133 : memref<200x64xf32, #tpu.memory_space<vmem>>) target(%dma_start3A_129 : memref<200x64xf32, #tpu.memory_space<hbm>>) target_semaphore(%dma_start3A_127 : memref<!tpu.dma_semaphore, #tpu.memory_space<semaphore_mem>>)
    %dma_wait3A_134 = arith.constant 126 : i32
    %dma_wait3A_135 = arith.constant 2 : i32
    %dma_wait3A_136 = arith.constant 2 : i32
    %dma_wait3A_137 = arith.constant 0 : i32
    %dma_wait3A_138 = arith.constant 0 : i32
    %dma_wait3A_139 = tpu.memref_slice %arg6[%dma_wait3A_135, %dma_wait3A_137, %dma_wait3A_138] : memref<4x200x64xf32, #tpu.memory_space<vmem>> -> memref<1x200x64xf32, #tpu.memory_space<vmem>>
    %dma_wait3A_140 = tpu.memref_squeeze %dma_wait3A_139 : memref<1x200x64xf32, #tpu.memory_space<vmem>> -> memref<200x64xf32, #tpu.memory_space<vmem>>
    %dma_wait3A_141 = arith.constant 0 : i32
    %dma_wait3A_142 = tpu.memref_slice %arg5[%dma_wait3A_134, %dma_wait3A_141] : memref<128x200xi32, #tpu.memory_space<vmem>> -> memref<1x200xi32, #tpu.memory_space<vmem>>
    %dma_wait3A_143 = tpu.memref_squeeze %dma_wait3A_142 : memref<1x200xi32, #tpu.memory_space<vmem>> -> memref<200xi32, #tpu.memory_space<vmem>>
    %dma_wait3A_144 = arith.constant 0 : i32
    %dma_wait3A_145 = arith.constant 0 : i32
    %dma_wait3A_146 = tpu.memref_slice %arg3[%dma_wait3A_144, %dma_wait3A_145] : memref<1000000x64xf32, #tpu.memory_space<hbm>> -> memref<1000000x64xf32, #tpu.memory_space<hbm>>
    %dma_wait3A_147 = tpu.memref_slice %arg7[%dma_wait3A_136] : memref<4x!tpu.dma_semaphore, #tpu.memory_space<semaphore_mem>> -> memref<1x!tpu.dma_semaphore, #tpu.memory_space<semaphore_mem>>
    %dma_wait3A_148 = tpu.memref_squeeze %dma_wait3A_147 : memref<1x!tpu.dma_semaphore, #tpu.memory_space<semaphore_mem>> -> memref<!tpu.dma_semaphore, #tpu.memory_space<semaphore_mem>>
    tpu.wait_indirect_dma semaphore(%dma_wait3A_148 : memref<!tpu.dma_semaphore, #tpu.memory_space<semaphore_mem>>) src(%dma_wait3A_146 : memref<1000000x64xf32, #tpu.memory_space<hbm>>) dst(%dma_wait3A_140 : memref<200x64xf32, #tpu.memory_space<vmem>>)
    %add3A_149 = arith.constant 25200 : i32
    %add3A_150 = arith.addi %mul3A_4, %add3A_149 : i32
    %dma_start3A_151 = arith.constant 2 : i32
    %dma_start3A_152 = arith.constant 2 : i32
    %dma_start3A_153 = arith.constant 0 : i32
    %dma_start3A_154 = arith.constant 0 : i32
    %dma_start3A_155 = tpu.memref_slice %arg6[%dma_start3A_151, %dma_start3A_153, %dma_start3A_154] : memref<4x200x64xf32, #tpu.memory_space<vmem>> -> memref<1x200x64xf32, #tpu.memory_space<vmem>>
    %dma_start3A_156 = tpu.memref_squeeze %dma_start3A_155 : memref<1x200x64xf32, #tpu.memory_space<vmem>> -> memref<200x64xf32, #tpu.memory_space<vmem>>
    %dma_start3A_157 = arith.constant 0 : i32
    %dma_start3A_158 = tpu.memref_slice %arg4[%add3A_150, %dma_start3A_157] : memref<819200x128xf32, #tpu.memory_space<hbm>> -> memref<200x64xf32, #tpu.memory_space<hbm>>
    %dma_start3A_159 = tpu.memref_slice %arg8[%dma_start3A_152] : memref<4x!tpu.dma_semaphore, #tpu.memory_space<semaphore_mem>> -> memref<1x!tpu.dma_semaphore, #tpu.memory_space<semaphore_mem>>
    %dma_start3A_160 = tpu.memref_squeeze %dma_start3A_159 : memref<1x!tpu.dma_semaphore, #tpu.memory_space<semaphore_mem>> -> memref<!tpu.dma_semaphore, #tpu.memory_space<semaphore_mem>>
    %dma_start3A_161 = arith.constant 0 : i32
    %dma_start3A_162 = tpu.memref_slice %arg4[%add3A_150, %dma_start3A_161] : memref<819200x128xf32, #tpu.memory_space<hbm>> -> memref<200x64xf32, #tpu.memory_space<hbm>>
    %dma_start3A_163 = arith.constant 0 : i32
    %dma_start3A_164 = arith.constant 0 : i32
    %dma_start3A_165 = tpu.memref_slice %arg6[%dma_start3A_151, %dma_start3A_163, %dma_start3A_164] : memref<4x200x64xf32, #tpu.memory_space<vmem>> -> memref<1x200x64xf32, #tpu.memory_space<vmem>>
    %dma_start3A_166 = tpu.memref_squeeze %dma_start3A_165 : memref<1x200x64xf32, #tpu.memory_space<vmem>> -> memref<200x64xf32, #tpu.memory_space<vmem>>
    tpu.enqueue_dma source(%dma_start3A_166 : memref<200x64xf32, #tpu.memory_space<vmem>>) target(%dma_start3A_162 : memref<200x64xf32, #tpu.memory_space<hbm>>) target_semaphore(%dma_start3A_160 : memref<!tpu.dma_semaphore, #tpu.memory_space<semaphore_mem>>)
    %dma_wait3A_167 = arith.constant 127 : i32
    %dma_wait3A_168 = arith.constant 3 : i32
    %dma_wait3A_169 = arith.constant 3 : i32
    %dma_wait3A_170 = arith.constant 0 : i32
    %dma_wait3A_171 = arith.constant 0 : i32
    %dma_wait3A_172 = tpu.memref_slice %arg6[%dma_wait3A_168, %dma_wait3A_170, %dma_wait3A_171] : memref<4x200x64xf32, #tpu.memory_space<vmem>> -> memref<1x200x64xf32, #tpu.memory_space<vmem>>
    %dma_wait3A_173 = tpu.memref_squeeze %dma_wait3A_172 : memref<1x200x64xf32, #tpu.memory_space<vmem>> -> memref<200x64xf32, #tpu.memory_space<vmem>>
    %dma_wait3A_174 = arith.constant 0 : i32
    %dma_wait3A_175 = tpu.memref_slice %arg5[%dma_wait3A_167, %dma_wait3A_174] : memref<128x200xi32, #tpu.memory_space<vmem>> -> memref<1x200xi32, #tpu.memory_space<vmem>>
    %dma_wait3A_176 = tpu.memref_squeeze %dma_wait3A_175 : memref<1x200xi32, #tpu.memory_space<vmem>> -> memref<200xi32, #tpu.memory_space<vmem>>
    %dma_wait3A_177 = arith.constant 0 : i32
    %dma_wait3A_178 = arith.constant 0 : i32
    %dma_wait3A_179 = tpu.memref_slice %arg3[%dma_wait3A_177, %dma_wait3A_178] : memref<1000000x64xf32, #tpu.memory_space<hbm>> -> memref<1000000x64xf32, #tpu.memory_space<hbm>>
    %dma_wait3A_180 = tpu.memref_slice %arg7[%dma_wait3A_169] : memref<4x!tpu.dma_semaphore, #tpu.memory_space<semaphore_mem>> -> memref<1x!tpu.dma_semaphore, #tpu.memory_space<semaphore_mem>>
    %dma_wait3A_181 = tpu.memref_squeeze %dma_wait3A_180 : memref<1x!tpu.dma_semaphore, #tpu.memory_space<semaphore_mem>> -> memref<!tpu.dma_semaphore, #tpu.memory_space<semaphore_mem>>
    tpu.wait_indirect_dma semaphore(%dma_wait3A_181 : memref<!tpu.dma_semaphore, #tpu.memory_space<semaphore_mem>>) src(%dma_wait3A_179 : memref<1000000x64xf32, #tpu.memory_space<hbm>>) dst(%dma_wait3A_173 : memref<200x64xf32, #tpu.memory_space<vmem>>)
    %add3A_182 = arith.constant 25400 : i32
    %add3A_183 = arith.addi %mul3A_4, %add3A_182 : i32
    %dma_start3A_184 = arith.constant 3 : i32
    %dma_start3A_185 = arith.constant 3 : i32
    %dma_start3A_186 = arith.constant 0 : i32
    %dma_start3A_187 = arith.constant 0 : i32
    %dma_start3A_188 = tpu.memref_slice %arg6[%dma_start3A_184, %dma_start3A_186, %dma_start3A_187] : memref<4x200x64xf32, #tpu.memory_space<vmem>> -> memref<1x200x64xf32, #tpu.memory_space<vmem>>
    %dma_start3A_189 = tpu.memref_squeeze %dma_start3A_188 : memref<1x200x64xf32, #tpu.memory_space<vmem>> -> memref<200x64xf32, #tpu.memory_space<vmem>>
    %dma_start3A_190 = arith.constant 0 : i32
    %dma_start3A_191 = tpu.memref_slice %arg4[%add3A_183, %dma_start3A_190] : memref<819200x128xf32, #tpu.memory_space<hbm>> -> memref<200x64xf32, #tpu.memory_space<hbm>>
    %dma_start3A_192 = tpu.memref_slice %arg8[%dma_start3A_185] : memref<4x!tpu.dma_semaphore, #tpu.memory_space<semaphore_mem>> -> memref<1x!tpu.dma_semaphore, #tpu.memory_space<semaphore_mem>>
    %dma_start3A_193 = tpu.memref_squeeze %dma_start3A_192 : memref<1x!tpu.dma_semaphore, #tpu.memory_space<semaphore_mem>> -> memref<!tpu.dma_semaphore, #tpu.memory_space<semaphore_mem>>
    %dma_start3A_194 = arith.constant 0 : i32
    %dma_start3A_195 = tpu.memref_slice %arg4[%add3A_183, %dma_start3A_194] : memref<819200x128xf32, #tpu.memory_space<hbm>> -> memref<200x64xf32, #tpu.memory_space<hbm>>
    %dma_start3A_196 = arith.constant 0 : i32
    %dma_start3A_197 = arith.constant 0 : i32
    %dma_start3A_198 = tpu.memref_slice %arg6[%dma_start3A_184, %dma_start3A_196, %dma_start3A_197] : memref<4x200x64xf32, #tpu.memory_space<vmem>> -> memref<1x200x64xf32, #tpu.memory_space<vmem>>
    %dma_start3A_199 = tpu.memref_squeeze %dma_start3A_198 : memref<1x200x64xf32, #tpu.memory_space<vmem>> -> memref<200x64xf32, #tpu.memory_space<vmem>>
    tpu.enqueue_dma source(%dma_start3A_199 : memref<200x64xf32, #tpu.memory_space<vmem>>) target(%dma_start3A_195 : memref<200x64xf32, #tpu.memory_space<hbm>>) target_semaphore(%dma_start3A_193 : memref<!tpu.dma_semaphore, #tpu.memory_space<semaphore_mem>>)
    %add3A_200 = arith.constant 24800 : i32
    %add3A_201 = arith.addi %mul3A_4, %add3A_200 : i32
    %dma_wait3A_202 = arith.constant 0 : i32
    %dma_wait3A_203 = arith.constant 0 : i32
    %dma_wait3A_204 = arith.constant 0 : i32
    %dma_wait3A_205 = arith.constant 0 : i32
    %dma_wait3A_206 = tpu.memref_slice %arg6[%dma_wait3A_202, %dma_wait3A_204, %dma_wait3A_205] : memref<4x200x64xf32, #tpu.memory_space<vmem>> -> memref<1x200x64xf32, #tpu.memory_space<vmem>>
    %dma_wait3A_207 = tpu.memref_squeeze %dma_wait3A_206 : memref<1x200x64xf32, #tpu.memory_space<vmem>> -> memref<200x64xf32, #tpu.memory_space<vmem>>
    %dma_wait3A_208 = arith.constant 0 : i32
    %dma_wait3A_209 = tpu.memref_slice %arg4[%add3A_201, %dma_wait3A_208] : memref<819200x128xf32, #tpu.memory_space<hbm>> -> memref<200x64xf32, #tpu.memory_space<hbm>>
    %dma_wait3A_210 = tpu.memref_slice %arg8[%dma_wait3A_203] : memref<4x!tpu.dma_semaphore, #tpu.memory_space<semaphore_mem>> -> memref<1x!tpu.dma_semaphore, #tpu.memory_space<semaphore_mem>>
    %dma_wait3A_211 = tpu.memref_squeeze %dma_wait3A_210 : memref<1x!tpu.dma_semaphore, #tpu.memory_space<semaphore_mem>> -> memref<!tpu.dma_semaphore, #tpu.memory_space<semaphore_mem>>
    %dma_wait3A_212 = arith.constant 0 : i32
    %dma_wait3A_213 = tpu.memref_slice %arg4[%add3A_201, %dma_wait3A_212] : memref<819200x128xf32, #tpu.memory_space<hbm>> -> memref<200x64xf32, #tpu.memory_space<hbm>>
    %dma_wait3A_214 = arith.constant 0 : i32
    %dma_wait3A_215 = arith.constant 0 : i32
    %dma_wait3A_216 = tpu.memref_slice %arg6[%dma_wait3A_202, %dma_wait3A_214, %dma_wait3A_215] : memref<4x200x64xf32, #tpu.memory_space<vmem>> -> memref<1x200x64xf32, #tpu.memory_space<vmem>>
    %dma_wait3A_217 = tpu.memref_squeeze %dma_wait3A_216 : memref<1x200x64xf32, #tpu.memory_space<vmem>> -> memref<200x64xf32, #tpu.memory_space<vmem>>
    tpu.wait_dma2 semaphore(%dma_wait3A_211 : memref<!tpu.dma_semaphore, #tpu.memory_space<semaphore_mem>>) src(%dma_wait3A_217 : memref<200x64xf32, #tpu.memory_space<vmem>>) dst(%dma_wait3A_213 : memref<200x64xf32, #tpu.memory_space<hbm>>)
    %add3A_218 = arith.constant 25000 : i32
    %add3A_219 = arith.addi %mul3A_4, %add3A_218 : i32
    %dma_wait3A_220 = arith.constant 1 : i32
    %dma_wait3A_221 = arith.constant 1 : i32
    %dma_wait3A_222 = arith.constant 0 : i32
    %dma_wait3A_223 = arith.constant 0 : i32
    %dma_wait3A_224 = tpu.memref_slice %arg6[%dma_wait3A_220, %dma_wait3A_222, %dma_wait3A_223] : memref<4x200x64xf32, #tpu.memory_space<vmem>> -> memref<1x200x64xf32, #tpu.memory_space<vmem>>
    %dma_wait3A_225 = tpu.memref_squeeze %dma_wait3A_224 : memref<1x200x64xf32, #tpu.memory_space<vmem>> -> memref<200x64xf32, #tpu.memory_space<vmem>>
    %dma_wait3A_226 = arith.constant 0 : i32
    %dma_wait3A_227 = tpu.memref_slice %arg4[%add3A_219, %dma_wait3A_226] : memref<819200x128xf32, #tpu.memory_space<hbm>> -> memref<200x64xf32, #tpu.memory_space<hbm>>
    %dma_wait3A_228 = tpu.memref_slice %arg8[%dma_wait3A_221] : memref<4x!tpu.dma_semaphore, #tpu.memory_space<semaphore_mem>> -> memref<1x!tpu.dma_semaphore, #tpu.memory_space<semaphore_mem>>
    %dma_wait3A_229 = tpu.memref_squeeze %dma_wait3A_228 : memref<1x!tpu.dma_semaphore, #tpu.memory_space<semaphore_mem>> -> memref<!tpu.dma_semaphore, #tpu.memory_space<semaphore_mem>>
    %dma_wait3A_230 = arith.constant 0 : i32
    %dma_wait3A_231 = tpu.memref_slice %arg4[%add3A_219, %dma_wait3A_230] : memref<819200x128xf32, #tpu.memory_space<hbm>> -> memref<200x64xf32, #tpu.memory_space<hbm>>
    %dma_wait3A_232 = arith.constant 0 : i32
    %dma_wait3A_233 = arith.constant 0 : i32
    %dma_wait3A_234 = tpu.memref_slice %arg6[%dma_wait3A_220, %dma_wait3A_232, %dma_wait3A_233] : memref<4x200x64xf32, #tpu.memory_space<vmem>> -> memref<1x200x64xf32, #tpu.memory_space<vmem>>
    %dma_wait3A_235 = tpu.memref_squeeze %dma_wait3A_234 : memref<1x200x64xf32, #tpu.memory_space<vmem>> -> memref<200x64xf32, #tpu.memory_space<vmem>>
    tpu.wait_dma2 semaphore(%dma_wait3A_229 : memref<!tpu.dma_semaphore, #tpu.memory_space<semaphore_mem>>) src(%dma_wait3A_235 : memref<200x64xf32, #tpu.memory_space<vmem>>) dst(%dma_wait3A_231 : memref<200x64xf32, #tpu.memory_space<hbm>>)
    %add3A_236 = arith.constant 25200 : i32
    %add3A_237 = arith.addi %mul3A_4, %add3A_236 : i32
    %dma_wait3A_238 = arith.constant 2 : i32
    %dma_wait3A_239 = arith.constant 2 : i32
    %dma_wait3A_240 = arith.constant 0 : i32
    %dma_wait3A_241 = arith.constant 0 : i32
    %dma_wait3A_242 = tpu.memref_slice %arg6[%dma_wait3A_238, %dma_wait3A_240, %dma_wait3A_241] : memref<4x200x64xf32, #tpu.memory_space<vmem>> -> memref<1x200x64xf32, #tpu.memory_space<vmem>>
    %dma_wait3A_243 = tpu.memref_squeeze %dma_wait3A_242 : memref<1x200x64xf32, #tpu.memory_space<vmem>> -> memref<200x64xf32, #tpu.memory_space<vmem>>
    %dma_wait3A_244 = arith.constant 0 : i32
    %dma_wait3A_245 = tpu.memref_slice %arg4[%add3A_237, %dma_wait3A_244] : memref<819200x128xf32, #tpu.memory_space<hbm>> -> memref<200x64xf32, #tpu.memory_space<hbm>>
    %dma_wait3A_246 = tpu.memref_slice %arg8[%dma_wait3A_239] : memref<4x!tpu.dma_semaphore, #tpu.memory_space<semaphore_mem>> -> memref<1x!tpu.dma_semaphore, #tpu.memory_space<semaphore_mem>>
    %dma_wait3A_247 = tpu.memref_squeeze %dma_wait3A_246 : memref<1x!tpu.dma_semaphore, #tpu.memory_space<semaphore_mem>> -> memref<!tpu.dma_semaphore, #tpu.memory_space<semaphore_mem>>
    %dma_wait3A_248 = arith.constant 0 : i32
    %dma_wait3A_249 = tpu.memref_slice %arg4[%add3A_237, %dma_wait3A_248] : memref<819200x128xf32, #tpu.memory_space<hbm>> -> memref<200x64xf32, #tpu.memory_space<hbm>>
    %dma_wait3A_250 = arith.constant 0 : i32
    %dma_wait3A_251 = arith.constant 0 : i32
    %dma_wait3A_252 = tpu.memref_slice %arg6[%dma_wait3A_238, %dma_wait3A_250, %dma_wait3A_251] : memref<4x200x64xf32, #tpu.memory_space<vmem>> -> memref<1x200x64xf32, #tpu.memory_space<vmem>>
    %dma_wait3A_253 = tpu.memref_squeeze %dma_wait3A_252 : memref<1x200x64xf32, #tpu.memory_space<vmem>> -> memref<200x64xf32, #tpu.memory_space<vmem>>
    tpu.wait_dma2 semaphore(%dma_wait3A_247 : memref<!tpu.dma_semaphore, #tpu.memory_space<semaphore_mem>>) src(%dma_wait3A_253 : memref<200x64xf32, #tpu.memory_space<vmem>>) dst(%dma_wait3A_249 : memref<200x64xf32, #tpu.memory_space<hbm>>)
    %add3A_254 = arith.constant 25400 : i32
    %add3A_255 = arith.addi %mul3A_4, %add3A_254 : i32
    %dma_wait3A_256 = arith.constant 3 : i32
    %dma_wait3A_257 = arith.constant 3 : i32
    %dma_wait3A_258 = arith.constant 0 : i32
    %dma_wait3A_259 = arith.constant 0 : i32
    %dma_wait3A_260 = tpu.memref_slice %arg6[%dma_wait3A_256, %dma_wait3A_258, %dma_wait3A_259] : memref<4x200x64xf32, #tpu.memory_space<vmem>> -> memref<1x200x64xf32, #tpu.memory_space<vmem>>
    %dma_wait3A_261 = tpu.memref_squeeze %dma_wait3A_260 : memref<1x200x64xf32, #tpu.memory_space<vmem>> -> memref<200x64xf32, #tpu.memory_space<vmem>>
    %dma_wait3A_262 = arith.constant 0 : i32
    %dma_wait3A_263 = tpu.memref_slice %arg4[%add3A_255, %dma_wait3A_262] : memref<819200x128xf32, #tpu.memory_space<hbm>> -> memref<200x64xf32, #tpu.memory_space<hbm>>
    %dma_wait3A_264 = tpu.memref_slice %arg8[%dma_wait3A_257] : memref<4x!tpu.dma_semaphore, #tpu.memory_space<semaphore_mem>> -> memref<1x!tpu.dma_semaphore, #tpu.memory_space<semaphore_mem>>
    %dma_wait3A_265 = tpu.memref_squeeze %dma_wait3A_264 : memref<1x!tpu.dma_semaphore, #tpu.memory_space<semaphore_mem>> -> memref<!tpu.dma_semaphore, #tpu.memory_space<semaphore_mem>>
    %dma_wait3A_266 = arith.constant 0 : i32
    %dma_wait3A_267 = tpu.memref_slice %arg4[%add3A_255, %dma_wait3A_266] : memref<819200x128xf32, #tpu.memory_space<hbm>> -> memref<200x64xf32, #tpu.memory_space<hbm>>
    %dma_wait3A_268 = arith.constant 0 : i32
    %dma_wait3A_269 = arith.constant 0 : i32
    %dma_wait3A_270 = tpu.memref_slice %arg6[%dma_wait3A_256, %dma_wait3A_268, %dma_wait3A_269] : memref<4x200x64xf32, #tpu.memory_space<vmem>> -> memref<1x200x64xf32, #tpu.memory_space<vmem>>
    %dma_wait3A_271 = tpu.memref_squeeze %dma_wait3A_270 : memref<1x200x64xf32, #tpu.memory_space<vmem>> -> memref<200x64xf32, #tpu.memory_space<vmem>>
    tpu.wait_dma2 semaphore(%dma_wait3A_265 : memref<!tpu.dma_semaphore, #tpu.memory_space<semaphore_mem>>) src(%dma_wait3A_271 : memref<200x64xf32, #tpu.memory_space<vmem>>) dst(%dma_wait3A_267 : memref<200x64xf32, #tpu.memory_space<hbm>>)
    return
  }
}

</mosaic_0001>

<sc_bundles>
// kernel: kernel.3.cloned.1.call-start
scs
__scs_entry_jumppad:
0x0: {  	(pc) =	sbr.rel $0x88, $3  }
0x1: {  	(tag) =	ssettag $0x0;
	lr =	simm.s32 $0x1  }
0x2: {  	[smem:$0x3F9F] =	sst lr;
	_ =	strace $0xD0000000  }
0x3: {  	_ = 	snop  }
0x4: {  	_ = 	snop  }
0x5: {  	_ = 	snop  }
0x6: {  	_ = 	snop  }
0x7: {  	_ = 	snop  }
__scs_overlays_trampoline_lowered:
0x8: {  	[smem:$0x3FAE] =	sst s0  }
0x9: {  	[smem:$0x3FAF] =	sst s1  }
0xa: {  	[smem:$0x3FB0] =	sst s2  }
0xb: {  	[smem:$0x3FB1] =	sst s3  }
0xc: {  	[smem:$0x3FB2] =	sst s4  }
0xd: {  	[smem:$0x3FB3] =	sst s5  }
0xe: {  	[smem:$0x3FB4] =	sst s6  }
0xf: {  	[smem:$0x3FB5] =	sst s7  }
0x10: {  	[smem:$0x3FB6] =	sst s8  }
0x11: {  	[smem:$0x3FB7] =	sst s9;
	s0 =	simm.s32 @!p0 $0x0  }
0x12: {  	s1 =	sld [smem:$0x3F9D];
	s0 =	simm.s32 @p0 $0x1  }
0x13: {  	[smem:$0x3FB8] =	sst s0;
	s0 =	simm.s32 @!p1 $0x0  }
0x14: {  	s2 =	sld [smem:$0x3F9C];
	s0 =	simm.s32 @p1 $0x1  }
0x15: {  	[smem:$0x3FB9] =	sst s0;
	s0 =	simm.s32 @!p2 $0x0  }
0x16: {  	s3 =	sld [smem:$0x3FDB];
	s0 =	simm.s32 @p2 $0x1  }
0x17: {  	s4 =	simm.s32 $0x1BF5;
	[smem:$0x3FBB] =	sst s0  }
0x18: {  	s0 =	sld [smem:$0x3F9E];
	_ =	swait.ge [sflag:s4], $0x0  }
0x19: {  	s7 =	sld [smem:$0x3F9F]  }
0x1a: {  	s8 =	sadd.s32 $0xFFFFE003, lr  }
0x1b: {  	s9 =	sadd.s32 $0xFFFFFEF7, lr;
	s5 =	simm.s32 $0xFFFFFFFF;
	p2 =	slt.u32 s8, $0xFFFFF086  }
0x1c: {  	p1 =	slt.u32 s9, $0xF7A;
	s5 =	simm.s32 @!p2 $0x0  }
0x1d: {  	s5 =	simm.s32 @p1 $0x1;
	p0 =	seq.s32 s7, s2  }
0x1e: {  	s7 =	smul.u32 @!p0 $0xF7A, s2;
	p2 =	seq.s32 @!p0 s5, $0x0  }
0x1f: {  	s9 =	smul.u32 $0xF7A, s1;
	s8 =	simm.s32 @!p0 $0x1BF5;
	p2 =	por !p2, p0  }
0x20: {  	[sflag:s8] =	ssyncset.s32 @!p0 $0xFFFFF086;
	s6 =	sadd.s32 @!p0 s3, s7;
	s7 =	simm.s32 @!p0 $0x108  }
0x21: {  	s3 =	sadd.s32 s3, s9;
	s6 =	sadd.s32 @!p0 $0x88, s6;
	s7 =	simm.s32 @p2 $0x1082  }
0x22: {  	[simem:s7], [sflag:s8] =	dma.local @!p0 [hbm:s6], $0xF7A  }
0x23: {  	s9 =	sor.u32 $0xD0000000, s2;
	s6 =	simm.s32 $0x108;
	_ =	swait.ge @!p0 [sflag:s8], $0x0  }
0x24: {  	s3 =	sadd.s32 $0x88, s3;
	s6 =	simm.s32 @!p1 $0x1082;
	[sflag:s4] =	ssyncset.s32 $0xFFFFF086  }
0x25: {  	[simem:s6], [sflag:s4] =	dma.local [hbm:s3], $0xF7A  }
0x26: {  	[smem:$0x3F9F] =	sst s1;
	(tag) =	ssettag s2;
	_ =	strace s9  }
0x27: {  	s1 =	sld [smem:$0x3FAF]  }
0x28: {  	s2 =	sld [smem:$0x3FB0]  }
0x29: {  	s4 =	sld [smem:$0x3FB2]  }
0x2a: {  	p0 =	seq.s32 s5, $0x0;
	s5 =	sld [smem:$0x3FB3]  }
0x2b: {  	s6 =	sld [smem:$0x3FB4]  }
0x2c: {  	s7 =	sld [smem:$0x3FB5]  }
0x2d: {  	s3 =	simm.s32 $0x108;
	s8 =	sld [smem:$0x3FB6]  }
0x2e: {  	s3 =	simm.s32 @!p0 $0x1082;
	s9 =	sld [smem:$0x3FB7]  }
0x2f: {  	lr =	sadd.s32 s0, s3;
	s0 =	sld [smem:$0x3FAE]  }
0x30: {  	s3 =	sld [smem:$0x3FB1]  }
0x31: {  	[smem:$0x3FBA] =	sst s10  }
0x32: {  	s10 =	sld [smem:$0x3FB8];
	_ =	sdelay $0x3  }
0x33: {  	p0 =	seq.s32 s10, $0x1;
	s10 =	sld [smem:$0x3FBA];
	_ =	sdelay $0x3  }
0x34: {  	[smem:$0x3FBA] =	sst s10  }
0x35: {  	s10 =	sld [smem:$0x3FB9];
	_ =	sdelay $0x3  }
0x36: {  	p1 =	seq.s32 s10, $0x1;
	s10 =	sld [smem:$0x3FBA];
	_ =	sdelay $0x3  }
0x37: {  	[smem:$0x3FBA] =	sst s10  }
0x38: {  	s10 =	sld [smem:$0x3FBB]  }
0x39: {  	_ = 	snop;
	(pc) =	sbr.ind lr, $3  }
0x3a: {  	_ = 	snop  }
0x3b: {  	_ = 	snop  }
0x3c: {  	p2 =	seq.s32 s10, $0x1;
	s10 =	sld [smem:$0x3FBA]  }
0x3d: {  	_ =	shalt  }
0x3e: {  	_ =	shalt  }
0x3f: {  	_ =	shalt  }
0x40: {  	_ =	shalt  }
0x41: {  	_ =	shalt  }
0x42: {  	_ =	shalt  }
0x43: {  	_ =	shalt  }
0x44: {  	_ =	shalt  }
0x45: {  	_ =	shalt  }
0x46: {  	_ =	shalt  }
0x47: {  	_ =	shalt  }
0x48: {  	_ =	shalt  }
0x49: {  	_ =	shalt  }
0x4a: {  	_ =	shalt  }
0x4b: {  	_ =	shalt  }
0x4c: {  	_ =	shalt  }
0x4d: {  	_ =	shalt  }
0x4e: {  	_ =	shalt  }
0x4f: {  	_ =	shalt  }
0x50: {  	_ =	shalt  }
0x51: {  	_ =	shalt  }
0x52: {  	_ =	shalt  }
0x53: {  	_ =	shalt  }
0x54: {  	_ =	shalt  }
0x55: {  	_ =	shalt  }
0x56: {  	_ =	shalt  }
0x57: {  	_ =	shalt  }
0x58: {  	_ =	shalt  }
0x59: {  	_ =	shalt  }
0x5a: {  	_ =	shalt  }
0x5b: {  	_ =	shalt  }
0x5c: {  	_ =	shalt  }
0x5d: {  	_ =	shalt  }
0x5e: {  	_ =	shalt  }
0x5f: {  	_ =	shalt  }
0x60: {  	_ =	shalt  }
0x61: {  	_ =	shalt  }
0x62: {  	_ =	shalt  }
0x63: {  	_ =	shalt  }
0x64: {  	_ =	shalt  }
0x65: {  	_ =	shalt  }
0x66: {  	_ =	shalt  }
0x67: {  	_ =	shalt  }
0x68: {  	_ =	shalt  }
0x69: {  	_ =	shalt  }
0x6a: {  	_ =	shalt  }
0x6b: {  	_ =	shalt  }
0x6c: {  	_ =	shalt  }
0x6d: {  	_ =	shalt  }
0x6e: {  	_ =	shalt  }
0x6f: {  	_ =	shalt  }
0x70: {  	_ =	shalt  }
0x71: {  	_ =	shalt  }
0x72: {  	_ =	shalt  }
0x73: {  	_ =	shalt  }
0x74: {  	_ =	shalt  }
0x75: {  	_ =	shalt  }
0x76: {  	_ =	shalt  }
0x77: {  	_ =	shalt  }
0x78: {  	_ =	shalt  }
0x79: {  	_ =	shalt  }
0x7a: {  	_ =	shalt  }
0x7b: {  	_ =	shalt  }
0x7c: {  	_ =	shalt  }
0x7d: {  	_ =	shalt  }
0x7e: {  	_ =	shalt  }
0x7f: {  	_ =	shalt  }
0x80: {  	_ =	shalt  }
0x81: {  	_ =	shalt  }
0x82: {  	_ =	shalt  }
0x83: {  	_ =	shalt  }
0x84: {  	_ =	shalt  }
0x85: {  	_ =	shalt  }
0x86: {  	_ =	shalt  }
0x87: {  	_ =	shalt  }
.Lfunc_end0:
.L_simem_size_0:
called_computation.1_lowered:
.L_overlay_start_0:
0x88: {  	s2 =	sld [smem:$0x3FD9]  }
0x89: {  	s3 =	sld [smem:$0x3FFE];
	_ =	sdelay $0x1  }
0x8a: {  	s1 =	srdreg.scid  }
0x8b: {  	s0 =	sand.u32 $0x1, s1  }
0x8c: {  	s17 =	sshll.u32 s0, $0xA;
	s2 =	sadd.s32 s3, s2  }
0x8d: {  	s2 =	sadd.s32 s2, s17  }
0x8e: {  	[smem:$0x3FC6] =	sst s2  }
0x8f: {  	_ = 	snop  }
0x90: {  	s2 =	sld [smem:$0x3FD0];
	(tm) =	ssettm $0x1  }
0x91: {  	s18 =	sld [smem:$0x3FFB];
	_ =	sdelay $0x3  }
0x92: {  	_ =	strace s18  }
0x93: {  	s3 =	sld [smem:$0x3FFC];
	_ =	sdelay $0x3  }
0x94: {  	_ =	strace s3  }
0x95: {  	s3 =	sld [smem:$0x3FFD];
	_ =	sdelay $0x3  }
0x96: {  	_ =	strace s3  }
0x97: {  	_ =	strace $0x8FFFFFFF  }
0x98: {  	s19 =	sld [smem:$0x3FDB];
	_ =	sdelay $0x1  }
0x99: {  	s4 =	simm.s32 $_scs_section_size  }
0x9a: {  	s5 =	simm.s32 $_size__tile_overlayer_lowered;
	s6 =	simm.s32 $_tile_overlayer_lowered  }
0x9b: {  	s22 =	simm.s32 $0x1BFF;
	s21 =	sshll.u32 s6, $0x1;
	s3 =	sadd.s32 s4, s19  }
0x9c: {  	s7 =	simm.s32 $0x0;
	s20 =	sshll.u32 s5, $0x1;
	s5 =	sadd.s32 s21, s3  }
0x9d: {  	[timem:s7], [sflag:s22] =	dma.local [hbm:s5], s20  }
0x9e: {  	_ =	swait.ge [sflag:s22], s20  }
0x9f: {  	s4 =	ssub.s32 $0x0, s20;
	[sflag:s22] =	ssyncset.done $0x0  }
0xa0: {  	[sflag:s22] =	ssyncadd.s32 s4;
	_ =	sdelay $0x1  }
0xa1: {  	s23 =	simm.s32 $0x1B8B  }
0xa2: {  	_ =	swait.ge [sflag:s23], $0x1  }
0xa3: {  	[sflag:s23] =	ssyncset.done $0x0  }
0xa4: {  	s25 =	simm.s32 $0x1B8E;
	s24 =	sld [smem:$0x3FFE];
	[sflag:s23] =	ssyncadd.s32 $0xFFFFFFFF  }
0xa5: {  	s26 =	simm.s32 $execute0_lowered;
	[smem:$0x3FD2] =	sst s25  }
0xa6: {  	s5 =	sshll.u32 s26, $0x1;
	_ =	strace $0x80000046;
	[dreg:$0x1] =	wrdreg $0xFFFFFFFF  }
0xa7: {  	s28 =	simm.s32 $_size_execute0_lowered;
	s3 =	sadd.s32 s3, s5;
	[dreg:$0x0] =	wrdreg $0x0  }
0xa8: {  	s5 =	sshll.u32 s28, $0x1;
	[dreg:$0x2] =	wrdreg s3  }
0xa9: {  	[dreg:$0x3] =	wrdreg s5  }
0xaa: {  	[dreg:$0x4] =	wrdreg $0xC0  }
0xab: {  	_ =	task [dreg:s7], $0x5FFFF  }
0xac: {  	[dreg:$0x1] =	wrdreg $0xFFFFFFFF  }
0xad: {  	[dreg:$0x0] =	wrdreg $0x60  }
0xae: {  	[dreg:$0x2] =	wrdreg s2  }
0xaf: {  	[dreg:$0x3] =	wrdreg s24  }
0xb0: {  	[dreg:$0x4] =	wrdreg $0x9  }
0xb1: {  	_ =	task.clear_ibuf [dreg:s7], $0x5FFFF;
	_ =	strace $0x90000046  }
0xb2: {  	s29 =	simm.s32 $0x9;
	_ =	strace $0x80000048  }
0xb3: {  	_ =	swait.ge [sflag:s29], $0x1  }
0xb4: {  	[sflag:s29] =	ssyncadd.s32 $0xFFFFFFFF  }
0xb5: {  	_ =	strace $0x90000048  }
0xb6: {  	_ =	sfence  }
0xb7: {  	s30 =	sld [smem:$0x0];
	_ =	sdelay $0x2  }
0xb8: {  	s31 =	sshll.u32 s1, $0xD;
	s1 =	sshrl.u32 s1, $0x2  }
0xb9: {  	s3 =	sand.u32 $0x4000, s31;
	s1 =	sadd.s32 s1, s30  }
0xba: {  	s0 =	sor.u32 s3, s0;
	s1 =	sshll.u32 s1, $0x11  }
0xbb: {  	s0 =	sor.u32 s1, s0  }
0xbc: {  	s0 =	sadd.s32 $0x8F2B, s0  }
0xbd: {  	[sflag:s0] =	ssyncadd.remote.s32 $0x1  }
0xbe: {  	_ =	sfence.sel $0xFFFF  }
0xbf: {  	[dreg:$0x0] =	wrdreg $0xFFFFFFFF;
	(pc) =	sbr.abs _section_cstart, $3  }
0xc0: {  	[dreg:$0x1] =	wrdreg $0xFFFFFFFF  }
0xc1: {  	_ =	task.clear_ibuf [dreg:s7], $0x2FFFF;
	_ =	strace $0x9FFFFFFF  }
0xc2: {  	(tm) =	ssettm $0x7FFFFFFF  }
0xc3: {  	_ =	shalt  }
tec
execute0_lowered:
.L_overlay_start_1:
0x0: {  	(tag) =	ssettag $0x1  }
0x1: {  	s0 =	rddreg [dreg:$0x0]  }
0x2: {  	s1 =	rddreg [dreg:$0x1]  }
0x3: {  	s2 =	srdreg.scid;
	s10 =	stileid.u32  }
0x4: {  	s4 =	simm.s32 $0x0;
	s14 =	simm.s32 $0x9;
	s15 =	simm.s32 $0xC8  }
0x5: {  	s16 =	simm.s32 $0x6400;
	s17 =	simm.s32 $0x9600;
	s19 =	simm.s32 $0xC800  }
0x6: {  	s28 =	simm.s32 $0x4;
	s29 =	simm.s32 $0x5;
	s30 =	simm.s32 $0x6  }
0x7: {  	s31 =	simm.s32 $0x7;
	s2 =	sand.u32 $0x1, s2;
	s8 =	smul.u32 $0xC800, s10  }
0x8: {  	s3 =	sshll.u32 s10, $0x1;
	[smem:$0x7FF] =	sst s4;
	s26 =	smul.u32 $0xC8000, s10  }
0x9: {  	s21 =	sor.u32 s2, s3;
	_ =	strace $0x80000047;
	s9 =	smul.u32 $0x6400, s2  }
0xa: {  	s3 =	sadd.s32 $0xF42E00, s1;
	s6 =	ssub.s32 $0x2, s2;
	s5 =	smul.u32 $0x320000, s21  }
0xb: {  	s1 =	sadd.s32 $0xA00, s1;
	s4 =	smul.u32 $0xC80, s21;
	s7 =	sshrl.u32 s6, $0x1  }
0xc: {  	s2 =	smul.u32 $0x64000, s2;
	s21 =	simm.s32 $0xFA00;
	s6 =	ssub.s32 s6, s7  }
0xd: {  	s25 =	sadd.s32 s9, s8;
	s5 =	sshrl.u32 s5, $0x3;
	s0 =	sadd.s32 s0, s4  }
0xe: {  	s9 =	smax.u32 s6, $0x1;
	s5 =	sadd.s32 s1, s5;
	[dreg:$0x3] =	wrdreg s0  }
0xf: {  	s0 =	sshll.u32 s25, $0x4;
	s25 =	simm.s32 $0x2;
	s22 =	sadd.s32 $0x60E00, s5  }
0x10: {  	s23 =	sadd.s32 $0x61A80, s5;
	s24 =	sadd.s32 $0x62700, s5;
	[dreg:$0x4] =	wrdreg s22  }
0x11: {  	s8 =	sadd.s32 $0x63380, s5;
	s0 =	sadd.s32 s0, s1;
	[dreg:$0x5] =	wrdreg s23  }
0x12: {  	s1 =	sadd.s32 s26, s1;
	s26 =	simm.s32 $0x3;
	[dreg:$0x6] =	wrdreg s24  }
0x13: {  	s10 =	sadd.s32 $0x2580, s0;
	s11 =	sadd.s32 $0x1900, s0;
	s12 =	sadd.s32 $0xC80, s0  }
0x14: {  	s13 =	sadd.s32 s2, s1;
	s22 =	simm.s32 $0x1;
	s23 =	simm.s32 $0x40  }
0x15: {  	s24 =	simm.s32 $0x80;
	s0 =	simm.s32 $0x8;
	s1 =	simm.s32 $0x0  }
.LBB2_1:
0x16: {  	s2 =	simm.s32 $0x0;
	s4 =	rddreg [dreg:$0x3]  }
0x17: {  	[tilespmem:s2], [sflag:$0x9] =	stream.linear.gather [hbm4b:s4+s2], $0x6400, $0x38;
	[tilespmem:$0x12C00] =	vst v63  }
0x18: {  	_ =	swait.ge [sflag:s14], $0x6400  }
0x19: {  	[sflag:s14] =	ssyncset.done $0x0  }
0x1a: {  	[sflag:s14] =	ssyncadd.s32 $0xFFFF9C00  }
0x1b: {  	[tilespmem:s16], [sflag:$0x1] =	stream.indirect.gather [hbm4b:s3+s15], $0x40, s2, s15, $0xb8;
	[tilespmem:$0x12C00] =	vst v63  }
0x1c: {  	_ = 	snop  }
0x1d: {  	[tilespmem:s17], [sflag:$0x2] =	stream.indirect.gather [hbm4b:s3+s15], $0x40, s15, s15, $0xb8;
	[tilespmem:$0x12C00] =	vst v63  }
0x1e: {  	s5 =	simm.s32 $0x190  }
0x1f: {  	[tilespmem:s19], [sflag:$0x3] =	stream.indirect.gather [hbm4b:s3+s15], $0x40, s5, s15, $0xb8;
	[tilespmem:$0x12C00] =	vst v63  }
0x20: {  	s6 =	simm.s32 $0x258  }
0x21: {  	[tilespmem:s21], [sflag:$0x4] =	stream.indirect.gather [hbm4b:s3+s15], $0x40, s6, s15, $0xb8;
	[tilespmem:$0x12C00] =	vst v63  }
0x22: {  	_ =	swait.ge [sflag:s22], $0x3200  }
0x23: {  	[sflag:s22] =	ssyncset.done $0x0  }
0x24: {  	[sflag:s22] =	ssyncadd.s32 $0xFFFFCE00  }
0x25: {  	[hbm4b:s13+s23] =	stream.strided.scatter [tilespmem:s16], [sflag:$0x5], $0x3200, s24, s23, $0x38;
	[tilespmem:$0x12C00] =	vst v63  }
0x26: {  	_ =	swait.ge [sflag:s25], $0x3200  }
0x27: {  	[sflag:s25] =	ssyncset.done $0x0  }
0x28: {  	[sflag:s25] =	ssyncadd.s32 $0xFFFFCE00  }
0x29: {  	[hbm4b:s12+s23] =	stream.strided.scatter [tilespmem:s17], [sflag:$0x6], $0x3200, s24, s23, $0x38;
	[tilespmem:$0x12C00] =	vst v63  }
0x2a: {  	_ =	swait.ge [sflag:s26], $0x3200  }
0x2b: {  	[sflag:s26] =	ssyncset.done $0x0  }
0x2c: {  	[sflag:s26] =	ssyncadd.s32 $0xFFFFCE00  }
0x2d: {  	[hbm4b:s11+s23] =	stream.strided.scatter [tilespmem:s19], [sflag:$0x7], $0x3200, s24, s23, $0x38;
	[tilespmem:$0x12C00] =	vst v63  }
0x2e: {  	_ =	swait.ge [sflag:s28], $0x3200  }
0x2f: {  	[sflag:s28] =	ssyncset.done $0x0  }
0x30: {  	[sflag:s28] =	ssyncadd.s32 $0xFFFFCE00  }
0x31: {  	[hbm4b:s10+s23] =	stream.strided.scatter [tilespmem:s21], [sflag:$0x8], $0x3200, s24, s23, $0x38;
	[tilespmem:$0x12C00] =	vst v63  }
0x32: {  	_ =	swait.ge [sflag:s29], $0x3200  }
0x33: {  	[sflag:s29] =	ssyncset.done $0x0  }
0x34: {  	s7 =	simm.s32 $0x320;
	[sflag:s29] =	ssyncadd.s32 $0xFFFFCE00  }
0x35: {  	[tilespmem:s16], [sflag:$0x1] =	stream.indirect.gather [hbm4b:s3+s15], $0x40, s7, s15, $0xb8;
	[tilespmem:$0x12C00] =	vst v63  }
0x36: {  	_ =	swait.ge [sflag:s30], $0x3200  }
0x37: {  	[sflag:s30] =	ssyncset.done $0x0  }
0x38: {  	s18 =	simm.s32 $0x3E8;
	[sflag:s30] =	ssyncadd.s32 $0xFFFFCE00  }
0x39: {  	[tilespmem:s17], [sflag:$0x2] =	stream.indirect.gather [hbm4b:s3+s15], $0x40, s18, s15, $0xb8;
	[tilespmem:$0x12C00] =	vst v63  }
0x3a: {  	_ =	swait.ge [sflag:s31], $0x3200  }
0x3b: {  	[sflag:s31] =	ssyncset.done $0x0  }
0x3c: {  	s20 =	simm.s32 $0x4B0;
	[sflag:s31] =	ssyncadd.s32 $0xFFFFCE00  }
0x3d: {  	[tilespmem:s19], [sflag:$0x3] =	stream.indirect.gather [hbm4b:s3+s15], $0x40, s20, s15, $0xb8;
	[tilespmem:$0x12C00] =	vst v63  }
0x3e: {  	s4 =	sadd.s32 $0x3200, s12;
	s2 =	sadd.s32 $0x3200, s11;
	_ =	swait.ge [sflag:s0], $0x3200  }
0x3f: {  	s5 =	sadd.s32 $0x3200, s10;
	s6 =	simm.s32 $0x578;
	[sflag:s0] =	ssyncset.done $0x0  }
0x40: {  	s18 =	simm.s32 $0xC80;
	s20 =	sadd.s32 $0x3200, s13;
	[sflag:s0] =	ssyncadd.s32 $0xFFFFCE00  }
.LBB2_2:
0x41: {  	[tilespmem:s21], [sflag:$0x4] =	stream.indirect.gather [hbm4b:s3+s15], $0x40, s6, s15, $0xb8;
	[tilespmem:$0x12C00] =	vst v63  }
0x42: {  	s6 =	smov.u32 s18  }
0x43: {  	p0 =	sne.s32 s18, $0x17700;
	s18 =	sadd.s32 $0xC80, s18;
	_ =	swait.ge [sflag:s22], $0x3200  }
0x44: {  	[sflag:s22] =	ssyncset.done $0x0  }
0x45: {  	[sflag:s22] =	ssyncadd.s32 $0xFFFFCE00  }
0x46: {  	[hbm4b:s20+s23] =	stream.strided.scatter [tilespmem:s16], [sflag:$0x5], $0x3200, s24, s23, $0x38;
	[tilespmem:$0x12C00] =	vst v63  }
0x47: {  	_ =	swait.ge [sflag:s25], $0x3200  }
0x48: {  	[sflag:s25] =	ssyncset.done $0x0  }
0x49: {  	[sflag:s25] =	ssyncadd.s32 $0xFFFFCE00  }
0x4a: {  	[hbm4b:s4+s23] =	stream.strided.scatter [tilespmem:s17], [sflag:$0x6], $0x3200, s24, s23, $0x38;
	[tilespmem:$0x12C00] =	vst v63  }
0x4b: {  	_ =	swait.ge [sflag:s26], $0x3200  }
0x4c: {  	[sflag:s26] =	ssyncset.done $0x0  }
0x4d: {  	[sflag:s26] =	ssyncadd.s32 $0xFFFFCE00  }
0x4e: {  	[hbm4b:s2+s23] =	stream.strided.scatter [tilespmem:s19], [sflag:$0x7], $0x3200, s24, s23, $0x38;
	[tilespmem:$0x12C00] =	vst v63  }
0x4f: {  	_ =	swait.ge [sflag:s28], $0x3200  }
0x50: {  	[sflag:s28] =	ssyncset.done $0x0  }
0x51: {  	[sflag:s28] =	ssyncadd.s32 $0xFFFFCE00  }
0x52: {  	[hbm4b:s5+s23] =	stream.strided.scatter [tilespmem:s21], [sflag:$0x8], $0x3200, s24, s23, $0x38;
	[tilespmem:$0x12C00] =	vst v63  }
0x53: {  	_ =	swait.ge [sflag:s29], $0x3200  }
0x54: {  	s6 =	sshra.s32 s6, $0x2;
	[sflag:s29] =	ssyncset.done $0x0  }
0x55: {  	s7 =	sadd.s32 $0x320, s6;
	[sflag:s29] =	ssyncadd.s32 $0xFFFFCE00  }
0x56: {  	[tilespmem:s16], [sflag:$0x1] =	stream.indirect.gather [hbm4b:s3+s15], $0x40, s7, s15, $0xb8;
	[tilespmem:$0x12C00] =	vst v63  }
0x57: {  	_ =	swait.ge [sflag:s30], $0x3200  }
0x58: {  	[sflag:s30] =	ssyncset.done $0x0  }
0x59: {  	s7 =	sadd.s32 $0x3E8, s6;
	[sflag:s30] =	ssyncadd.s32 $0xFFFFCE00  }
0x5a: {  	[tilespmem:s17], [sflag:$0x2] =	stream.indirect.gather [hbm4b:s3+s15], $0x40, s7, s15, $0xb8;
	[tilespmem:$0x12C00] =	vst v63  }
0x5b: {  	_ =	swait.ge [sflag:s31], $0x3200  }
0x5c: {  	[sflag:s31] =	ssyncset.done $0x0  }
.Ltmp0:
0x5d: {  	s7 =	sadd.s32 $0x4B0, s6;
	[sflag:s31] =	ssyncadd.s32 $0xFFFFCE00;
	(pc) =	sbr.rel @p0 .LBB2_2-.Ltmp0, $4  }
0x5e: {  	[tilespmem:s19], [sflag:$0x3] =	stream.indirect.gather [hbm4b:s3+s15], $0x40, s7, s15, $0xb8;
	[tilespmem:$0x12C00] =	vst v63  }
0x5f: {  	s20 =	sadd.s32 $0x3200, s20;
	_ =	swait.ge [sflag:s0], $0x3200  }
0x60: {  	s4 =	sadd.s32 $0x3200, s4;
	s2 =	sadd.s32 $0x3200, s2;
	[sflag:s0] =	ssyncset.done $0x0  }
0x61: {  	s5 =	sadd.s32 $0x3200, s5;
	s6 =	sadd.s32 $0x578, s6;
	[sflag:s0] =	ssyncadd.s32 $0xFFFFCE00  }
0x62: {  	[tilespmem:s21], [sflag:$0x4] =	stream.indirect.gather [hbm4b:s3+s15], $0x40, s6, s15, $0xb8;
	[tilespmem:$0x12C00] =	vst v63  }
0x63: {  	_ =	swait.ge [sflag:s22], $0x3200  }
0x64: {  	[sflag:s22] =	ssyncset.done $0x0  }
0x65: {  	s2 =	rddreg [dreg:$0x4];
	[sflag:s22] =	ssyncadd.s32 $0xFFFFCE00  }
0x66: {  	[hbm4b:s2+s23] =	stream.strided.scatter [tilespmem:s16], [sflag:$0x5], $0x3200, s24, s23, $0x38;
	[tilespmem:$0x12C00] =	vst v63  }
0x67: {  	_ =	swait.ge [sflag:s25], $0x3200  }
0x68: {  	[sflag:s25] =	ssyncset.done $0x0  }
0x69: {  	s18 =	rddreg [dreg:$0x5];
	[sflag:s25] =	ssyncadd.s32 $0xFFFFCE00  }
0x6a: {  	[hbm4b:s18+s23] =	stream.strided.scatter [tilespmem:s17], [sflag:$0x6], $0x3200, s24, s23, $0x38;
	[tilespmem:$0x12C00] =	vst v63  }
0x6b: {  	_ =	swait.ge [sflag:s26], $0x3200  }
0x6c: {  	[sflag:s26] =	ssyncset.done $0x0  }
0x6d: {  	s20 =	rddreg [dreg:$0x6];
	[sflag:s26] =	ssyncadd.s32 $0xFFFFCE00  }
0x6e: {  	[hbm4b:s20+s23] =	stream.strided.scatter [tilespmem:s19], [sflag:$0x7], $0x3200, s24, s23, $0x38;
	[tilespmem:$0x12C00] =	vst v63  }
0x6f: {  	_ =	swait.ge [sflag:s28], $0x3200  }
0x70: {  	[sflag:s28] =	ssyncset.done $0x0  }
0x71: {  	[sflag:s28] =	ssyncadd.s32 $0xFFFFCE00  }
0x72: {  	[hbm4b:s8+s23] =	stream.strided.scatter [tilespmem:s21], [sflag:$0x8], $0x3200, s24, s23, $0x38;
	[tilespmem:$0x12C00] =	vst v63  }
0x73: {  	_ =	swait.ge [sflag:s29], $0x3200  }
0x74: {  	[sflag:s29] =	ssyncset.done $0x0  }
0x75: {  	[sflag:s29] =	ssyncadd.s32 $0xFFFFCE00  }
0x76: {  	_ =	swait.ge [sflag:s30], $0x3200  }
0x77: {  	[sflag:s30] =	ssyncset.done $0x0  }
0x78: {  	s1 =	sadd.s32 $0x1, s1;
	[sflag:s30] =	ssyncadd.s32 $0xFFFFCE00  }
0x79: {  	p0 =	sne.s32 s1, s9;
	_ =	swait.ge [sflag:s31], $0x3200  }
.Ltmp1:
0x7a: {  	[sflag:s31] =	ssyncset.done $0x0;
	(pc) =	sbr.rel @p0 .LBB2_1-.Ltmp1, $4  }
0x7b: {  	[sflag:s31] =	ssyncadd.s32 $0xFFFFCE00  }
0x7c: {  	_ =	swait.ge [sflag:s0], $0x3200  }
0x7d: {  	[sflag:s0] =	ssyncset.done $0x0  }
0x7e: {  	[sflag:s0] =	ssyncadd.s32 $0xFFFFCE00  }
0x7f: {  	_ =	sfence.sel $0x180000  }
0x80: {  	[bflag:$0x0] =	sbarrier.arrive $0xFFFF  }
0x81: {  	_ =	strace $0x90000047  }
0x82: {  	s0 =	stileid.u32;
	[bflag:$0x2] =	sbarrier.arrive $0xFFFF  }
0x83: {  	p0 =	sne.s32 s0, $0x0;
	s0 =	rddreg [dreg:$0x2]  }
0x84: {  	s0 =	sadd.s32 @!p0 $0x100000, s0  }
0x85: {  	[sflag:s0] =	ssyncadd.tile.s32 @!p0 $0x1;
	_ =	shalt  }
.Lfunc_end2:
_tile_overlayer_lowered:
.L_overlay_start_2:
0x86: {  	(tag) =	ssettag $0x2  }
0x87: {  	s0 =	rddreg [dreg:$0x0];
	s2 =	stileid.u32  }
0x88: {  	s1 =	rddreg [dreg:$0x1];
	p0 =	sne.s32 s2, $0x0  }
0x89: {  	s3 =	rddreg [dreg:$0x2];
	[bflag:$0x3] =	sbarrier.arrive $0xFFFF;
	s2 =	simm.s32 @!p0 $0x1C09  }
0x8a: {  	[timem:s3], [sflag:s2] =	dma.local @!p0 [hbm:s0], s1  }
0x8b: {  	s0 =	simm.s32 @!p0 $0x9  }
0x8c: {  	_ =	swait.ge @!p0 [sflag:s0], s1  }
0x8d: {  	s1 =	ssub.s32 @!p0 $0x0, s1;
	[sflag:s0] =	ssyncset.done @!p0 $0x0  }
0x8e: {  	[sflag:s0] =	ssyncadd.s32 @!p0 s1  }
0x8f: {  	[bflag:$0x3] =	sbarrier.arrive $0xFFFF  }
0x90: {  	_ =	shalt  }

// kernel: sparse-core-data-format-call.cloned.1.call-start
scs
called_computation_lowered:
.L_overlay_start_0:
0x0: {  	s2 =	sld [smem:$0x3FD9]  }
0x1: {  	s3 =	sld [smem:$0x3FFE];
	_ =	sdelay $0x1  }
0x2: {  	s1 =	srdreg.scid  }
0x3: {  	s0 =	sand.u32 $0x1, s1  }
0x4: {  	s18 =	sshll.u32 s0, $0xA;
	s2 =	sadd.s32 s3, s2  }
0x5: {  	s2 =	sadd.s32 s2, s18  }
0x6: {  	[smem:$0x3FC6] =	sst s2  }
0x7: {  	_ = 	snop  }
0x8: {  	s2 =	sld [smem:$0x3FD0];
	(tm) =	ssettm $0x1  }
0x9: {  	s19 =	sld [smem:$0x3FFB];
	_ =	sdelay $0x3  }
0xa: {  	_ =	strace s19  }
0xb: {  	s3 =	sld [smem:$0x3FFC];
	_ =	sdelay $0x3  }
0xc: {  	_ =	strace s3  }
0xd: {  	s3 =	sld [smem:$0x3FFD];
	_ =	sdelay $0x3  }
0xe: {  	_ =	strace s3  }
0xf: {  	_ =	strace $0x8FFFFFFF  }
0x10: {  	s20 =	sld [smem:$0x3FDB];
	_ =	sdelay $0x1  }
0x11: {  	s4 =	simm.s32 $_scs_section_size  }
0x12: {  	s5 =	simm.s32 $_size__tile_overlayer_lowered;
	s6 =	simm.s32 $_tile_overlayer_lowered  }
0x13: {  	s23 =	simm.s32 $0x1BFF;
	s22 =	sshll.u32 s6, $0x1;
	s3 =	sadd.s32 s4, s20  }
0x14: {  	s7 =	simm.s32 $0x0;
	s21 =	sshll.u32 s5, $0x1;
	s5 =	sadd.s32 s22, s3  }
0x15: {  	[timem:s7], [sflag:s23] =	dma.local [hbm:s5], s21  }
0x16: {  	_ =	swait.ge [sflag:s23], s21  }
0x17: {  	s4 =	ssub.s32 $0x0, s21;
	[sflag:s23] =	ssyncset.done $0x0  }
0x18: {  	[sflag:s23] =	ssyncadd.s32 s4;
	_ =	sdelay $0x1  }
0x19: {  	s24 =	simm.s32 $0x1B8B  }
0x1a: {  	_ =	swait.ge [sflag:s24], $0x1  }
0x1b: {  	[sflag:s24] =	ssyncset.done $0x0  }
0x1c: {  	s26 =	simm.s32 $0x1B8E;
	s25 =	sld [smem:$0x3FFE];
	[sflag:s24] =	ssyncadd.s32 $0xFFFFFFFF  }
0x1d: {  	s27 =	simm.s32 $execute0_lowered;
	[smem:$0x3FD2] =	sst s26  }
0x1e: {  	s5 =	sshll.u32 s27, $0x1;
	_ =	strace $0x80000049;
	[dreg:$0x1] =	wrdreg $0xFFFFFFFF  }
0x1f: {  	s28 =	simm.s32 $_size_execute0_lowered;
	s3 =	sadd.s32 s3, s5;
	[dreg:$0x0] =	wrdreg $0x0  }
0x20: {  	s5 =	sshll.u32 s28, $0x1;
	[dreg:$0x2] =	wrdreg s3  }
0x21: {  	[dreg:$0x3] =	wrdreg s5  }
0x22: {  	[dreg:$0x4] =	wrdreg $0xC0  }
0x23: {  	_ =	task [dreg:s7], $0x5FFFF  }
0x24: {  	[dreg:$0x1] =	wrdreg $0xFFFFFFFF  }
0x25: {  	[dreg:$0x0] =	wrdreg $0x60  }
0x26: {  	[dreg:$0x2] =	wrdreg s25  }
0x27: {  	[dreg:$0x3] =	wrdreg s2  }
0x28: {  	[dreg:$0x4] =	wrdreg $0x9  }
0x29: {  	_ =	task.clear_ibuf [dreg:s7], $0x5FFFF;
	_ =	strace $0x90000049  }
0x2a: {  	s29 =	simm.s32 $0x9;
	_ =	strace $0x8000004B  }
0x2b: {  	_ =	swait.ge [sflag:s29], $0x1  }
0x2c: {  	[sflag:s29] =	ssyncadd.s32 $0xFFFFFFFF  }
0x2d: {  	_ =	strace $0x9000004B  }
0x2e: {  	_ =	sfence  }
0x2f: {  	s30 =	sld [smem:$0x0];
	_ =	sdelay $0x2  }
0x30: {  	s31 =	sshll.u32 s1, $0xD;
	s1 =	sshrl.u32 s1, $0x2  }
0x31: {  	s3 =	sand.u32 $0x4000, s31;
	s1 =	sadd.s32 s1, s30  }
0x32: {  	s0 =	sor.u32 s3, s0;
	s1 =	sshll.u32 s1, $0x11  }
0x33: {  	s0 =	sor.u32 s1, s0  }
0x34: {  	s0 =	sadd.s32 $0x8F2B, s0  }
0x35: {  	[sflag:s0] =	ssyncadd.remote.s32 $0x1  }
0x36: {  	_ =	sfence.sel $0xFFFF  }
0x37: {  	[dreg:$0x0] =	wrdreg $0xFFFFFFFF;
	(pc) =	sbr.abs _section_cstart, $3  }
0x38: {  	[dreg:$0x1] =	wrdreg $0xFFFFFFFF  }
0x39: {  	_ =	task.clear_ibuf [dreg:s7], $0x2FFFF;
	_ =	strace $0x9FFFFFFF  }
0x3a: {  	(tm) =	ssettm $0x7FFFFFFF  }
0x3b: {  	_ =	shalt  }
tec
execute0_lowered:
.L_overlay_start_1:
0x0: {  	(tag) =	ssettag $0x1  }
0x1: {  	s0 =	srdreg.scid  }
0x2: {  	s1 =	sshll.u32 s0, $0x4  }
0x3: {  	s0 =	stileid.u32;
	s1 =	sand.u32 $0x10, s1  }
0x4: {  	s1 =	sor.u32 s0, s1  }
0x5: {  	s6 =	rddreg [dreg:$0x0];
	s4 =	simm.s32 $0x1;
	s2 =	sshll.u32 s1, $0x7  }
0x6: {  	s7 =	simm.s32 $0x2;
	s12 =	simm.s32 $0x0;
	s1 =	ssub.s32 $0x1000, s2  }
0x7: {  	s8 =	simm.s32 $0x8000;
	s13 =	simm.s32 $0x0;
	s3 =	sand.u32 $0xF80, s1  }
0x8: {  	s9 =	simm.s32 $0x0;
	s5 =	sshrl.u32 s1, $0xC;
	p0 =	sne.s32 s3, $0x0  }
.Ltmp0:
0x9: {  	s1 =	rddreg [dreg:$0x2];
	s4 =	simm.s32 @!p0 $0x0;
	(pc) =	sbr.rel .LBB1_1-.Ltmp0, $4  }
0xa: {  	s11 =	simm.s32 $0x0;
	s3 =	rddreg [dreg:$0x1];
	s5 =	sadd.s32 s4, s5  }
0xb: {  	_ =	strace $0x8000004A;
	s4 =	simm.s32 $0x1;
	s5 =	smul.u32 $0xC8, s5  }
0xc: {  	s6 =	sadd.s32 $0xA00, s6;
	s10 =	smov.u32 s2;
	[sflag:s4] =	ssyncpa.u1 $0x0  }
0xd: {  	p0 =	por $0x0, $0x0;
	[sflag:s7] =	ssyncpa.u1 $0x0;
	s7 =	sor.u32 $0x1, s5  }
.LBB1_4:
0xe: {  	s16 =	sshll.u32 s13, $0x3;
	s17 =	sand.u32 $0x78, s13  }
0xf: {  	s30 =	sand.u32 $0x7E00, s13;
	s12 =	sshll.u32 s12, $0xF;
	s16 =	sand.u32 $0xC00, s16  }
0x10: {  	[tilespmem:s15+$0x810 ss:$0x81] =	vst.msk $0xffff, v2;
	s31 =	sand.u32 $0x7, s13;
	s16 =	sor.u32 s17, s16;
	s17 =	sadd.s32 s3, s30  }
0x11: {  	[tilespmem:s15+$0x1020 ss:$0x81] =	vst.msk $0xffff, v0;
	s13 =	sshll.u32 s31, $0x12;
	s12 =	sadd.s32 s12, s17;
	s16 =	sshrl.u32 s16, $0x3  }
0x12: {  	[tilespmem:s15+$0x0 ss:$0x81] =	vst.msk $0xffff, v1;
	s13 =	sor.u32 $0x400, s13;
	s12 =	sadd.s32 s16, s12  }
0x13: {  	[hbm4b:s12+s13] =	stream.strided.scatter [tilespmem:s14], [sflag:$0x2], $0x2000, s8, s13, $0x20;
	[tilespmem:$0x8080] =	vst v63  }
.LBB1_5:
0x14: {  	s14 =	sadd.s32 $0x1, s9  }
0x15: {  	s12 =	sadd.s32 $0x1000, s10;
	s16 =	smov.u32 s10;
	p2 =	sgt.s32 s14, $0xC7  }
0x16: {  	s16 =	smov.u32 @p2 s12  }
0x17: {  	s14 =	simm.s32 @p2 $0x0;
	p2 =	sgt.s32 s16, $0xFFF  }
0x18: {  	s16 =	smov.u32 @p2 s2;
	p2 =	sne.s32 s11, s7  }
.Ltmp1:
0x19: {  	p1 =	slt.u32 s11, $0x2;
	(pc) =	sbr.rel @!p2 .LBB1_6-.Ltmp1, $4  }
0x1a: {  	s15 =	simm.s32 @!p1 $0x2  }
0x1b: {  	s13 =	smov.u32 s10;
	p0 =	por !p0, !p0;
	_ =	swait.ge @!p1 [sflag:s15], $0x2000  }
0x1c: {  	s12 =	smov.u32 s9;
	[sflag:s15] =	ssyncset.done @!p1 $0x0;
	s9 =	smov.u32 s14  }
0x1d: {  	s11 =	sadd.s32 $0x1, s11;
	[sflag:s15] =	ssyncadd.s32 @!p1 $0xFFFFE000;
	s10 =	smov.u32 s16  }
.LBB1_1:
0x1e: {  	p1 =	sge.u32 s11, s5  }
0x1f: {  	s14 =	sand.u32 @!p1 $0x1FFFFFF, s9  }
0x20: {  	s15 =	smulhi.u32 @!p1 $0x147AE15, s14;
	_ =	sdelay $0x1  }
0x21: {  	s15 =	smul.u32 @!p1 $0xC8, s15  }
0x22: {  	s16 =	sxor.u32 @!p1 $0xFFFFFFFF, s11;
	s17 =	smul.u32 @!p1 $0xC80, s10  }
0x23: {  	s31 =	sadd.s32 $0xFFFFFFFF, s11;
	s16 =	sshll.u32 @!p1 s16, $0xD;
	s14 =	ssub.s32 @!p1 s14, s15  }
0x24: {  	s15 =	sand.u32 @!p1 $0x2000, s16;
	s16 =	sadd.s32 @!p1 s6, s17;
	s14 =	sshll.u32 @!p1 s14, $0x4  }
0x25: {  	s17 =	simm.s32 @!p1 $0x6400;
	s14 =	sadd.s32 @!p1 s14, s16;
	s16 =	simm.s32 @!p1 $0x40  }
0x26: {  	[tilespmem:s15], [sflag:$0x1] =	stream.strided.gather @!p1 [hbm4b:s14+s16], $0x2000, s17, s16, $0x38;
	[tilespmem:$0x8080] =	vst v63  }
0x27: {  	p1 =	sge.u32 s31, s5  }
.Ltmp2:
0x28: {  	_ = 	snop;
	(pc) =	sbr.rel @p1 .LBB1_5-.Ltmp2, $1  }
0x29: {  	_ =	sdelay $0x3  }
0x2a: {  	s14 =	simm.s32 $0x1  }
0x2b: {  	_ =	swait.ge [sflag:s4], $0x2000;
	s14 =	simm.s32 @!p0 $0x0  }
0x2c: {  	[sflag:s4] =	ssyncset.done $0x0;
	s15 =	sshll.u32 s14, $0xD  }
0x2d: {  	[sflag:s4] =	ssyncadd.s32 $0xFFFFE000;
	s18 =	sor.u32 $0x20, s15  }
0x2e: {  	s14 =	smul.u32 $0x8100, s14;
	v3 =	vld [tilespmem:s18+$0x10]  }
0x2f: {  	s30 =	sand.u32 $0x1, s11;
	v2 =	vld [tilespmem:s18+$0xFFFFFFF0]  }
0x30: {  	s15 =	smul.u32 $0x8100, s30;
	s14 =	sshrl.u32 s14, $0x2;
	v0 =	vld [tilespmem:s18+$0x0]  }
0x31: {  	v1 =	vld [tilespmem:s18+$0xFFFFFFE0];
	s16 =	sor.u32 $0x4000, s14  }
0x32: {  	s31 =	sshrl.u32 s15, $0x2;
	s15 =	sadd.s32 $0x0, s16  }
0x33: {  	s17 =	simm.s32 $0x4;
	s18 =	sadd.s32 $0x40, s18;
	s14 =	sor.u32 $0x4000, s31;
	[tilespmem:s15+$0x1830 ss:$0x81] =	vst.msk $0xffff, v3  }
.LBB1_3:
0x34: {  	v3 =	vld [tilespmem:s18+$0x10];
	p1 =	sne.s32 s17, $0x1FC;
	[tilespmem:s15+$0x810 ss:$0x81] =	vst.msk $0xffff, v2;
	s19 =	smov.u32 s17;
	s17 =	sadd.s32 $0x4, s17  }
.Ltmp3:
0x35: {  	v2 =	vld [tilespmem:s18+$0xFFFFFFF0];
	[tilespmem:s15+$0x1020 ss:$0x81] =	vst.msk $0xffff, v0;
	(pc) =	sbr.rel @p1 .LBB1_3-.Ltmp3, $4  }
0x36: {  	v0 =	vld [tilespmem:s18+$0x0];
	[tilespmem:s15+$0x0 ss:$0x81] =	vst.msk $0xffff, v1  }
0x37: {  	s15 =	sshra.s32 s19, $0x2;
	v1 =	vld [tilespmem:s18+$0xFFFFFFE0]  }
0x38: {  	s15 =	sadd.s32 s15, s16  }
0x39: {  	s18 =	sadd.s32 $0x40, s18;
	[tilespmem:s15+$0x1830 ss:$0x81] =	vst.msk $0xffff, v3  }
.Ltmp4:
0x3a: {  	_ = 	snop;
	(pc) =	sbr.rel .LBB1_4-.Ltmp4, $1  }
0x3b: {  	_ =	sdelay $0x3  }
.LBB1_6:
0x3c: {  	_ =	sfence.sel $0x180000  }
0x3d: {  	s2 =	simm.s32 $0x1;
	[bflag:$0x0] =	sbarrier.arrive $0xFFFF  }
0x3e: {  	s31 =	simm.s32 $0x2;
	[sflag:s2] =	ssyncpa.u1 $0x1  }
0x3f: {  	[sflag:s31] =	ssyncpa.u1 $0x1  }
0x40: {  	p0 =	sne.s32 s0, $0x0;
	_ =	strace $0x9000004A  }
0x41: {  	s0 =	sadd.s32 @!p0 $0x100000, s1;
	[bflag:$0x2] =	sbarrier.arrive $0xFFFF  }
0x42: {  	[sflag:s0] =	ssyncadd.tile.s32 @!p0 $0x1;
	_ =	shalt  }
.Lfunc_end1:
_tile_overlayer_lowered:
.L_overlay_start_2:
0x43: {  	(tag) =	ssettag $0x2  }
0x44: {  	s0 =	rddreg [dreg:$0x0];
	s2 =	stileid.u32  }
0x45: {  	s1 =	rddreg [dreg:$0x1];
	p0 =	sne.s32 s2, $0x0  }
0x46: {  	s3 =	rddreg [dreg:$0x2];
	[bflag:$0x3] =	sbarrier.arrive $0xFFFF;
	s2 =	simm.s32 @!p0 $0x1C01  }
0x47: {  	[timem:s3], [sflag:s2] =	dma.local @!p0 [hbm:s0], s1  }
0x48: {  	s0 =	simm.s32 @!p0 $0x1  }
0x49: {  	_ =	swait.ge @!p0 [sflag:s0], s1  }
0x4a: {  	s1 =	ssub.s32 @!p0 $0x0, s1;
	[sflag:s0] =	ssyncset.done @!p0 $0x0  }
0x4b: {  	[sflag:s0] =	ssyncadd.s32 @!p0 s1  }
0x4c: {  	[bflag:$0x3] =	sbarrier.arrive $0xFFFF  }
0x4d: {  	_ =	shalt  }

</sc_bundles>
